<compile_context>
chip_gen: v7x
topology: tpu7x:2x2x1
jax: 0.10.2.dev20260603
libtpu: 0.0.44.dev20260713+nightly
codegen_flags: <defaults>
</compile_context>

<pallas_src>
import functools

import jax
import jax.numpy as jnp
from jax import lax
from jax.experimental import pallas as pl
from jax.experimental.pallas import tpu as pltpu
from jax.experimental.pallas import tpu_sc as plsc

_NC = 2
_NS = 16
_NW = _NC * _NS

_CH = 128
_NBUF = 5


def _make_gather(v, d, b_total):
    assert b_total % _NW == 0
    b_per_w = b_total // _NW
    assert b_per_w % _CH == 0
    n_ch = b_per_w // _CH
    assert n_ch % _NBUF == 0 and n_ch // _NBUF >= 2
    n_grp = n_ch // _NBUF

    mesh = plsc.VectorSubcoreMesh(core_axis_name="c", subcore_axis_name="s")

    @functools.partial(
        pl.kernel,
        mesh=mesh,
        compiler_params=pltpu.CompilerParams(use_tc_tiling_on_sc=False),
        out_type=jax.ShapeDtypeStruct((b_total, d), jnp.float32),
        scratch_types=[
            pltpu.VMEM((n_ch, _CH), jnp.int32),
            pltpu.VMEM((_NBUF, _CH, 2 * d), jnp.float32),
            pltpu.SemaphoreType.DMA((_NBUF,)),
            pltpu.SemaphoreType.DMA((_NBUF,)),
        ],
    )
    def gather_kernel(idx_hbm, table_hbm, out_hbm, idx_v, rows_v, gsem, ssem):
        wid = lax.axis_index("s") * _NC + lax.axis_index("c")
        pltpu.sync_copy(idx_hbm.at[wid], idx_v)

        for b in range(_NBUF):
            pltpu.async_copy(table_hbm.at[idx_v.at[b]], rows_v.at[b], gsem.at[b])

        def group(g, _):
            for b in range(_NBUF):
                j = g * _NBUF + b
                pltpu.make_async_copy(
                    table_hbm.at[idx_v.at[b]], rows_v.at[b], gsem.at[b]
                ).wait()
                pltpu.async_copy(rows_v.at[b, :, pl.ds(0, d)], out_hbm.at[pl.ds((wid * n_ch + j) * _CH, _CH)], ssem.at[b])
                jn = j + _NBUF

                @pl.when(jn < n_ch)
                def _():
                    pltpu.make_async_copy(
                        rows_v.at[b, :, pl.ds(0, d)],
                        out_hbm.at[pl.ds((wid * n_ch + j) * _CH, _CH)],
                        ssem.at[b],
                    ).wait()
                    pltpu.async_copy(
                        table_hbm.at[idx_v.at[jn]], rows_v.at[b], gsem.at[b]
                    )

            return ()

        lax.fori_loop(0, n_grp, group, ())

        for b in range(_NBUF):
            pltpu.make_async_copy(
                rows_v.at[b, :, pl.ds(0, d)],
                out_hbm.at[pl.ds((wid * n_ch + n_ch - _NBUF + b) * _CH, _CH)],
                ssem.at[b],
            ).wait()

    return gather_kernel


def kernel(stroke_orders, embedding_table):
    batch, hist = stroke_orders.shape
    v, d = embedding_table.shape
    b_total = batch * hist
    table_lin = jnp.pad(embedding_table, ((0, 0), (0, d)))
    idx = stroke_orders.astype(jnp.int32).reshape(_NW, b_total // (_NW * _CH), _CH)
    out = _make_gather(v, d, b_total)(idx, table_lin)
    return out.reshape(batch, hist, d)

# --- scband reference (transcript-rebuilt; emitter-appended) ---
"""Pipeline reference for scband-stroke-order-embedder-43069932045014 (READ-ONLY COPY).

The authoritative reference and input builder live on the scoring server;
editing this copy changes nothing except your own understanding.
"""

import jax, jax.numpy as jnp
import numpy as np

STROKE_NUMS = 1000000
HIDDEN_SIZE = 64
BATCH = 4096
HIST_LEN = 50

def setup_inputs(seed: int = 0) -> dict:
    key = jax.random.key(seed)
    k1, k2 = jax.random.split(key)
    stroke_orders = jax.random.randint(k1, (BATCH, HIST_LEN), 0, STROKE_NUMS, dtype=jnp.int64 if jax.config.jax_enable_x64 else jnp.int32)
    embedding_table = jax.random.normal(k2, (STROKE_NUMS, HIDDEN_SIZE), dtype=jnp.float32)
    return {"stroke_orders": stroke_orders, "embedding_table": embedding_table}

def reference(stroke_orders, embedding_table):
    # nn.Embedding lookup: gather rows of the table
    embeddings = jnp.take(embedding_table, stroke_orders, axis=0)
    return embeddings

if __name__ == "__main__":
    import jax
    _d = setup_inputs()
    print(jax.jit(kernel)(*tuple(_d.values())))

</pallas_src>

<mosaic_0001>
#map = affine_map<(d0, d1) -> (0, 0, 0)>
#map1 = affine_map<(d0, d1) -> (0, 0)>
module attributes {stable_mosaic.version = 14 : i64} {
  func.func @gather_kernel(%arg0: i32, %arg1: i32, %arg2: memref<32x50x128xi32, #tpu.memory_space<hbm>>, %arg3: memref<1000000x128xf32, #tpu.memory_space<hbm>>, %arg4: memref<204800x64xf32, #tpu.memory_space<hbm>>, %arg5: memref<50x128xi32, #tpu.memory_space<vmem>>, %arg6: memref<5x128x128xf32, #tpu.memory_space<vmem>>, %arg7: memref<5x!tpu.dma_semaphore, #tpu.memory_space<semaphore_mem>>, %arg8: memref<5x!tpu.dma_semaphore, #tpu.memory_space<semaphore_mem>>) attributes {dimension_semantics = [#tpu.dimension_semantics<core_parallel>, #tpu.dimension_semantics<subcore_parallel>], iteration_bounds = array<i64: 2, 16>, scalar_prefetch = 0 : i64, scratch_operands = 4 : i64, tpu.core_type = #tpu.core_type<sc_vector_subcore>, window_params = [{transform_indices = #map}, {transform_indices = #map1}, {transform_indices = #map1}]} {
    %mul3A = arith.constant 2 : i32
    %mul3A_0 = arith.muli %arg1, %mul3A : i32
    %add3A = arith.addi %mul3A_0, %arg0 : i32
    "tpu.region"() ({
      %run_scoped3A = tpu.sem_alloc : memref<!tpu.dma_semaphore, #tpu.memory_space<semaphore_mem>>
      %dma_start3A_207 = arith.constant 0 : i32
      %dma_start3A_208 = arith.constant 0 : i32
      %dma_start3A_209 = tpu.memref_slice %arg2[%add3A, %dma_start3A_207, %dma_start3A_208] : memref<32x50x128xi32, #tpu.memory_space<hbm>> -> memref<1x50x128xi32, #tpu.memory_space<hbm>>
      %dma_start3A_210 = tpu.memref_squeeze %dma_start3A_209 : memref<1x50x128xi32, #tpu.memory_space<hbm>> -> memref<50x128xi32, #tpu.memory_space<hbm>>
      %dma_start3A_211 = arith.constant 0 : i32
      %dma_start3A_212 = arith.constant 0 : i32
      %dma_start3A_213 = tpu.memref_slice %arg2[%add3A, %dma_start3A_211, %dma_start3A_212] : memref<32x50x128xi32, #tpu.memory_space<hbm>> -> memref<1x50x128xi32, #tpu.memory_space<hbm>>
      %dma_start3A_214 = tpu.memref_squeeze %dma_start3A_213 : memref<1x50x128xi32, #tpu.memory_space<hbm>> -> memref<50x128xi32, #tpu.memory_space<hbm>>
      tpu.enqueue_dma source(%dma_start3A_214 : memref<50x128xi32, #tpu.memory_space<hbm>>) target(%arg5 : memref<50x128xi32, #tpu.memory_space<vmem>>) target_semaphore(%run_scoped3A : memref<!tpu.dma_semaphore, #tpu.memory_space<semaphore_mem>>)
      %dma_wait3A_215 = arith.constant 0 : i32
      %dma_wait3A_216 = arith.constant 0 : i32
      %dma_wait3A_217 = tpu.memref_slice %arg2[%add3A, %dma_wait3A_215, %dma_wait3A_216] : memref<32x50x128xi32, #tpu.memory_space<hbm>> -> memref<1x50x128xi32, #tpu.memory_space<hbm>>
      %dma_wait3A_218 = tpu.memref_squeeze %dma_wait3A_217 : memref<1x50x128xi32, #tpu.memory_space<hbm>> -> memref<50x128xi32, #tpu.memory_space<hbm>>
      %dma_wait3A_219 = arith.constant 0 : i32
      %dma_wait3A_220 = arith.constant 0 : i32
      %dma_wait3A_221 = tpu.memref_slice %arg2[%add3A, %dma_wait3A_219, %dma_wait3A_220] : memref<32x50x128xi32, #tpu.memory_space<hbm>> -> memref<1x50x128xi32, #tpu.memory_space<hbm>>
      %dma_wait3A_222 = tpu.memref_squeeze %dma_wait3A_221 : memref<1x50x128xi32, #tpu.memory_space<hbm>> -> memref<50x128xi32, #tpu.memory_space<hbm>>
      tpu.wait_dma2 semaphore(%run_scoped3A : memref<!tpu.dma_semaphore, #tpu.memory_space<semaphore_mem>>) src(%dma_wait3A_222 : memref<50x128xi32, #tpu.memory_space<hbm>>) dst(%arg5 : memref<50x128xi32, #tpu.memory_space<vmem>>)
      tpu.yield
    }) : () -> ()
    %dma_start3A = arith.constant 0 : i32
    %dma_start3A_1 = arith.constant 0 : i32
    %dma_start3A_2 = arith.constant 0 : i32
    %dma_start3A_3 = arith.constant 0 : i32
    %dma_start3A_4 = arith.constant 0 : i32
    %dma_start3A_5 = tpu.memref_slice %arg6[%dma_start3A_1, %dma_start3A_3, %dma_start3A_4] : memref<5x128x128xf32, #tpu.memory_space<vmem>> -> memref<1x128x128xf32, #tpu.memory_space<vmem>>
    %dma_start3A_6 = tpu.memref_squeeze %dma_start3A_5 : memref<1x128x128xf32, #tpu.memory_space<vmem>> -> memref<128x128xf32, #tpu.memory_space<vmem>>
    %dma_start3A_7 = arith.constant 0 : i32
    %dma_start3A_8 = tpu.memref_slice %arg5[%dma_start3A, %dma_start3A_7] : memref<50x128xi32, #tpu.memory_space<vmem>> -> memref<1x128xi32, #tpu.memory_space<vmem>>
    %dma_start3A_9 = tpu.memref_squeeze %dma_start3A_8 : memref<1x128xi32, #tpu.memory_space<vmem>> -> memref<128xi32, #tpu.memory_space<vmem>>
    %dma_start3A_10 = arith.constant 0 : i32
    %dma_start3A_11 = arith.constant 0 : i32
    %dma_start3A_12 = tpu.memref_slice %arg3[%dma_start3A_10, %dma_start3A_11] : memref<1000000x128xf32, #tpu.memory_space<hbm>> -> memref<1000000x128xf32, #tpu.memory_space<hbm>>
    %dma_start3A_13 = tpu.memref_slice %arg7[%dma_start3A_2] : memref<5x!tpu.dma_semaphore, #tpu.memory_space<semaphore_mem>> -> memref<1x!tpu.dma_semaphore, #tpu.memory_space<semaphore_mem>>
    %dma_start3A_14 = tpu.memref_squeeze %dma_start3A_13 : memref<1x!tpu.dma_semaphore, #tpu.memory_space<semaphore_mem>> -> memref<!tpu.dma_semaphore, #tpu.memory_space<semaphore_mem>>
    tpu.enqueue_indirect_dma source(%dma_start3A_12 : memref<1000000x128xf32, #tpu.memory_space<hbm>>) target(%dma_start3A_6 : memref<128x128xf32, #tpu.memory_space<vmem>>) offsets(%dma_start3A_9 : memref<128xi32, #tpu.memory_space<vmem>>) semaphore(%dma_start3A_14 : memref<!tpu.dma_semaphore, #tpu.memory_space<semaphore_mem>>)
    %dma_start3A_15 = arith.constant 1 : i32
    %dma_start3A_16 = arith.constant 1 : i32
    %dma_start3A_17 = arith.constant 1 : i32
    %dma_start3A_18 = arith.constant 0 : i32
    %dma_start3A_19 = arith.constant 0 : i32
    %dma_start3A_20 = tpu.memref_slice %arg6[%dma_start3A_16, %dma_start3A_18, %dma_start3A_19] : memref<5x128x128xf32, #tpu.memory_space<vmem>> -> memref<1x128x128xf32, #tpu.memory_space<vmem>>
    %dma_start3A_21 = tpu.memref_squeeze %dma_start3A_20 : memref<1x128x128xf32, #tpu.memory_space<vmem>> -> memref<128x128xf32, #tpu.memory_space<vmem>>
    %dma_start3A_22 = arith.constant 0 : i32
    %dma_start3A_23 = tpu.memref_slice %arg5[%dma_start3A_15, %dma_start3A_22] : memref<50x128xi32, #tpu.memory_space<vmem>> -> memref<1x128xi32, #tpu.memory_space<vmem>>
    %dma_start3A_24 = tpu.memref_squeeze %dma_start3A_23 : memref<1x128xi32, #tpu.memory_space<vmem>> -> memref<128xi32, #tpu.memory_space<vmem>>
    %dma_start3A_25 = arith.constant 0 : i32
    %dma_start3A_26 = arith.constant 0 : i32
    %dma_start3A_27 = tpu.memref_slice %arg3[%dma_start3A_25, %dma_start3A_26] : memref<1000000x128xf32, #tpu.memory_space<hbm>> -> memref<1000000x128xf32, #tpu.memory_space<hbm>>
    %dma_start3A_28 = tpu.memref_slice %arg7[%dma_start3A_17] : memref<5x!tpu.dma_semaphore, #tpu.memory_space<semaphore_mem>> -> memref<1x!tpu.dma_semaphore, #tpu.memory_space<semaphore_mem>>
    %dma_start3A_29 = tpu.memref_squeeze %dma_start3A_28 : memref<1x!tpu.dma_semaphore, #tpu.memory_space<semaphore_mem>> -> memref<!tpu.dma_semaphore, #tpu.memory_space<semaphore_mem>>
    tpu.enqueue_indirect_dma source(%dma_start3A_27 : memref<1000000x128xf32, #tpu.memory_space<hbm>>) target(%dma_start3A_21 : memref<128x128xf32, #tpu.memory_space<vmem>>) offsets(%dma_start3A_24 : memref<128xi32, #tpu.memory_space<vmem>>) semaphore(%dma_start3A_29 : memref<!tpu.dma_semaphore, #tpu.memory_space<semaphore_mem>>)
    %dma_start3A_30 = arith.constant 2 : i32
    %dma_start3A_31 = arith.constant 2 : i32
    %dma_start3A_32 = arith.constant 2 : i32
    %dma_start3A_33 = arith.constant 0 : i32
    %dma_start3A_34 = arith.constant 0 : i32
    %dma_start3A_35 = tpu.memref_slice %arg6[%dma_start3A_31, %dma_start3A_33, %dma_start3A_34] : memref<5x128x128xf32, #tpu.memory_space<vmem>> -> memref<1x128x128xf32, #tpu.memory_space<vmem>>
    %dma_start3A_36 = tpu.memref_squeeze %dma_start3A_35 : memref<1x128x128xf32, #tpu.memory_space<vmem>> -> memref<128x128xf32, #tpu.memory_space<vmem>>
    %dma_start3A_37 = arith.constant 0 : i32
    %dma_start3A_38 = tpu.memref_slice %arg5[%dma_start3A_30, %dma_start3A_37] : memref<50x128xi32, #tpu.memory_space<vmem>> -> memref<1x128xi32, #tpu.memory_space<vmem>>
    %dma_start3A_39 = tpu.memref_squeeze %dma_start3A_38 : memref<1x128xi32, #tpu.memory_space<vmem>> -> memref<128xi32, #tpu.memory_space<vmem>>
    %dma_start3A_40 = arith.constant 0 : i32
    %dma_start3A_41 = arith.constant 0 : i32
    %dma_start3A_42 = tpu.memref_slice %arg3[%dma_start3A_40, %dma_start3A_41] : memref<1000000x128xf32, #tpu.memory_space<hbm>> -> memref<1000000x128xf32, #tpu.memory_space<hbm>>
    %dma_start3A_43 = tpu.memref_slice %arg7[%dma_start3A_32] : memref<5x!tpu.dma_semaphore, #tpu.memory_space<semaphore_mem>> -> memref<1x!tpu.dma_semaphore, #tpu.memory_space<semaphore_mem>>
    %dma_start3A_44 = tpu.memref_squeeze %dma_start3A_43 : memref<1x!tpu.dma_semaphore, #tpu.memory_space<semaphore_mem>> -> memref<!tpu.dma_semaphore, #tpu.memory_space<semaphore_mem>>
    tpu.enqueue_indirect_dma source(%dma_start3A_42 : memref<1000000x128xf32, #tpu.memory_space<hbm>>) target(%dma_start3A_36 : memref<128x128xf32, #tpu.memory_space<vmem>>) offsets(%dma_start3A_39 : memref<128xi32, #tpu.memory_space<vmem>>) semaphore(%dma_start3A_44 : memref<!tpu.dma_semaphore, #tpu.memory_space<semaphore_mem>>)
    %dma_start3A_45 = arith.constant 3 : i32
    %dma_start3A_46 = arith.constant 3 : i32
    %dma_start3A_47 = arith.constant 3 : i32
    %dma_start3A_48 = arith.constant 0 : i32
    %dma_start3A_49 = arith.constant 0 : i32
    %dma_start3A_50 = tpu.memref_slice %arg6[%dma_start3A_46, %dma_start3A_48, %dma_start3A_49] : memref<5x128x128xf32, #tpu.memory_space<vmem>> -> memref<1x128x128xf32, #tpu.memory_space<vmem>>
    %dma_start3A_51 = tpu.memref_squeeze %dma_start3A_50 : memref<1x128x128xf32, #tpu.memory_space<vmem>> -> memref<128x128xf32, #tpu.memory_space<vmem>>
    %dma_start3A_52 = arith.constant 0 : i32
    %dma_start3A_53 = tpu.memref_slice %arg5[%dma_start3A_45, %dma_start3A_52] : memref<50x128xi32, #tpu.memory_space<vmem>> -> memref<1x128xi32, #tpu.memory_space<vmem>>
    %dma_start3A_54 = tpu.memref_squeeze %dma_start3A_53 : memref<1x128xi32, #tpu.memory_space<vmem>> -> memref<128xi32, #tpu.memory_space<vmem>>
    %dma_start3A_55 = arith.constant 0 : i32
    %dma_start3A_56 = arith.constant 0 : i32
    %dma_start3A_57 = tpu.memref_slice %arg3[%dma_start3A_55, %dma_start3A_56] : memref<1000000x128xf32, #tpu.memory_space<hbm>> -> memref<1000000x128xf32, #tpu.memory_space<hbm>>
    %dma_start3A_58 = tpu.memref_slice %arg7[%dma_start3A_47] : memref<5x!tpu.dma_semaphore, #tpu.memory_space<semaphore_mem>> -> memref<1x!tpu.dma_semaphore, #tpu.memory_space<semaphore_mem>>
    %dma_start3A_59 = tpu.memref_squeeze %dma_start3A_58 : memref<1x!tpu.dma_semaphore, #tpu.memory_space<semaphore_mem>> -> memref<!tpu.dma_semaphore, #tpu.memory_space<semaphore_mem>>
    tpu.enqueue_indirect_dma source(%dma_start3A_57 : memref<1000000x128xf32, #tpu.memory_space<hbm>>) target(%dma_start3A_51 : memref<128x128xf32, #tpu.memory_space<vmem>>) offsets(%dma_start3A_54 : memref<128xi32, #tpu.memory_space<vmem>>) semaphore(%dma_start3A_59 : memref<!tpu.dma_semaphore, #tpu.memory_space<semaphore_mem>>)
    %dma_start3A_60 = arith.constant 4 : i32
    %dma_start3A_61 = arith.constant 4 : i32
    %dma_start3A_62 = arith.constant 4 : i32
    %dma_start3A_63 = arith.constant 0 : i32
    %dma_start3A_64 = arith.constant 0 : i32
    %dma_start3A_65 = tpu.memref_slice %arg6[%dma_start3A_61, %dma_start3A_63, %dma_start3A_64] : memref<5x128x128xf32, #tpu.memory_space<vmem>> -> memref<1x128x128xf32, #tpu.memory_space<vmem>>
    %dma_start3A_66 = tpu.memref_squeeze %dma_start3A_65 : memref<1x128x128xf32, #tpu.memory_space<vmem>> -> memref<128x128xf32, #tpu.memory_space<vmem>>
    %dma_start3A_67 = arith.constant 0 : i32
    %dma_start3A_68 = tpu.memref_slice %arg5[%dma_start3A_60, %dma_start3A_67] : memref<50x128xi32, #tpu.memory_space<vmem>> -> memref<1x128xi32, #tpu.memory_space<vmem>>
    %dma_start3A_69 = tpu.memref_squeeze %dma_start3A_68 : memref<1x128xi32, #tpu.memory_space<vmem>> -> memref<128xi32, #tpu.memory_space<vmem>>
    %dma_start3A_70 = arith.constant 0 : i32
    %dma_start3A_71 = arith.constant 0 : i32
    %dma_start3A_72 = tpu.memref_slice %arg3[%dma_start3A_70, %dma_start3A_71] : memref<1000000x128xf32, #tpu.memory_space<hbm>> -> memref<1000000x128xf32, #tpu.memory_space<hbm>>
    %dma_start3A_73 = tpu.memref_slice %arg7[%dma_start3A_62] : memref<5x!tpu.dma_semaphore, #tpu.memory_space<semaphore_mem>> -> memref<1x!tpu.dma_semaphore, #tpu.memory_space<semaphore_mem>>
    %dma_start3A_74 = tpu.memref_squeeze %dma_start3A_73 : memref<1x!tpu.dma_semaphore, #tpu.memory_space<semaphore_mem>> -> memref<!tpu.dma_semaphore, #tpu.memory_space<semaphore_mem>>
    tpu.enqueue_indirect_dma source(%dma_start3A_72 : memref<1000000x128xf32, #tpu.memory_space<hbm>>) target(%dma_start3A_66 : memref<128x128xf32, #tpu.memory_space<vmem>>) offsets(%dma_start3A_69 : memref<128xi32, #tpu.memory_space<vmem>>) semaphore(%dma_start3A_74 : memref<!tpu.dma_semaphore, #tpu.memory_space<semaphore_mem>>)
    %scan3A = arith.constant 0 : i32
    %scan3A_75 = arith.constant 10 : i32
    %scan3A_76 = arith.addi %scan3A, %scan3A_75 : i32
    %scan3A_77 = arith.constant 1 : i32
    scf.for %scan3A_207 = %scan3A to %scan3A_76 step %scan3A_77  : i32 {
      %mul3A_208 = arith.constant 5 : i32
      %mul3A_209 = arith.muli %scan3A_207, %mul3A_208 : i32
      %add3A_210 = arith.constant 0 : i32
      %add3A_211 = arith.addi %mul3A_209, %add3A_210 : i32
      %dma_wait3A_212 = arith.constant 0 : i32
      %dma_wait3A_213 = arith.constant 0 : i32
      %dma_wait3A_214 = arith.constant 0 : i32
      %dma_wait3A_215 = arith.constant 0 : i32
      %dma_wait3A_216 = arith.constant 0 : i32
      %dma_wait3A_217 = tpu.memref_slice %arg6[%dma_wait3A_213, %dma_wait3A_215, %dma_wait3A_216] : memref<5x128x128xf32, #tpu.memory_space<vmem>> -> memref<1x128x128xf32, #tpu.memory_space<vmem>>
      %dma_wait3A_218 = tpu.memref_squeeze %dma_wait3A_217 : memref<1x128x128xf32, #tpu.memory_space<vmem>> -> memref<128x128xf32, #tpu.memory_space<vmem>>
      %dma_wait3A_219 = arith.constant 0 : i32
      %dma_wait3A_220 = tpu.memref_slice %arg5[%dma_wait3A_212, %dma_wait3A_219] : memref<50x128xi32, #tpu.memory_space<vmem>> -> memref<1x128xi32, #tpu.memory_space<vmem>>
      %dma_wait3A_221 = tpu.memref_squeeze %dma_wait3A_220 : memref<1x128xi32, #tpu.memory_space<vmem>> -> memref<128xi32, #tpu.memory_space<vmem>>
      %dma_wait3A_222 = arith.constant 0 : i32
      %dma_wait3A_223 = arith.constant 0 : i32
      %dma_wait3A_224 = tpu.memref_slice %arg3[%dma_wait3A_222, %dma_wait3A_223] : memref<1000000x128xf32, #tpu.memory_space<hbm>> -> memref<1000000x128xf32, #tpu.memory_space<hbm>>
      %dma_wait3A_225 = tpu.memref_slice %arg7[%dma_wait3A_214] : memref<5x!tpu.dma_semaphore, #tpu.memory_space<semaphore_mem>> -> memref<1x!tpu.dma_semaphore, #tpu.memory_space<semaphore_mem>>
      %dma_wait3A_226 = tpu.memref_squeeze %dma_wait3A_225 : memref<1x!tpu.dma_semaphore, #tpu.memory_space<semaphore_mem>> -> memref<!tpu.dma_semaphore, #tpu.memory_space<semaphore_mem>>
      tpu.wait_indirect_dma semaphore(%dma_wait3A_226 : memref<!tpu.dma_semaphore, #tpu.memory_space<semaphore_mem>>) src(%dma_wait3A_224 : memref<1000000x128xf32, #tpu.memory_space<hbm>>) dst(%dma_wait3A_218 : memref<128x128xf32, #tpu.memory_space<vmem>>)
      %mul3A_227 = arith.constant 50 : i32
      %mul3A_228 = arith.muli %add3A, %mul3A_227 : i32
      %add3A_229 = arith.addi %mul3A_228, %add3A_211 : i32
      %mul3A_230 = arith.constant 128 : i32
      %mul3A_231 = arith.muli %add3A_229, %mul3A_230 : i32
      %dma_start3A_232 = arith.constant 0 : i32
      %dma_start3A_233 = arith.constant 0 : i32
      %dma_start3A_234 = arith.constant 0 : i32
      %dma_start3A_235 = arith.constant 0 : i32
      %dma_start3A_236 = tpu.memref_slice %arg6[%dma_start3A_232, %dma_start3A_234, %dma_start3A_235] : memref<5x128x128xf32, #tpu.memory_space<vmem>> -> memref<1x128x64xf32, #tpu.memory_space<vmem>>
      %dma_start3A_237 = tpu.memref_squeeze %dma_start3A_236 : memref<1x128x64xf32, #tpu.memory_space<vmem>> -> memref<128x64xf32, #tpu.memory_space<vmem>>
      %dma_start3A_238 = arith.constant 0 : i32
      %dma_start3A_239 = tpu.memref_slice %arg4[%mul3A_231, %dma_start3A_238] : memref<204800x64xf32, #tpu.memory_space<hbm>> -> memref<128x64xf32, #tpu.memory_space<hbm>>
      %dma_start3A_240 = tpu.memref_slice %arg8[%dma_start3A_233] : memref<5x!tpu.dma_semaphore, #tpu.memory_space<semaphore_mem>> -> memref<1x!tpu.dma_semaphore, #tpu.memory_space<semaphore_mem>>
      %dma_start3A_241 = tpu.memref_squeeze %dma_start3A_240 : memref<1x!tpu.dma_semaphore, #tpu.memory_space<semaphore_mem>> -> memref<!tpu.dma_semaphore, #tpu.memory_space<semaphore_mem>>
      %dma_start3A_242 = arith.constant 0 : i32
      %dma_start3A_243 = tpu.memref_slice %arg4[%mul3A_231, %dma_start3A_242] : memref<204800x64xf32, #tpu.memory_space<hbm>> -> memref<128x64xf32, #tpu.memory_space<hbm>>
      %dma_start3A_244 = arith.constant 0 : i32
      %dma_start3A_245 = arith.constant 0 : i32
      %dma_start3A_246 = tpu.memref_slice %arg6[%dma_start3A_232, %dma_start3A_244, %dma_start3A_245] : memref<5x128x128xf32, #tpu.memory_space<vmem>> -> memref<1x128x64xf32, #tpu.memory_space<vmem>>
      %dma_start3A_247 = tpu.memref_squeeze %dma_start3A_246 : memref<1x128x64xf32, #tpu.memory_space<vmem>> -> memref<128x64xf32, #tpu.memory_space<vmem>>
      tpu.enqueue_dma source(%dma_start3A_247 : memref<128x64xf32, #tpu.memory_space<vmem>>) target(%dma_start3A_243 : memref<128x64xf32, #tpu.memory_space<hbm>>) target_semaphore(%dma_start3A_241 : memref<!tpu.dma_semaphore, #tpu.memory_space<semaphore_mem>>)
      %add3A_248 = arith.constant 5 : i32
      %add3A_249 = arith.addi %add3A_211, %add3A_248 : i32
      %lt3A = arith.constant 50 : i32
      %lt3A_250 = arith.cmpi slt, %add3A_249, %lt3A : i32
      %convert_element_type3A = arith.extui %lt3A_250 : i1 to i32
      %cond3A = arith.constant 0 : i32
      %cond3A_251 = arith.cmpi ne, %convert_element_type3A, %cond3A : i32
      scf.if %cond3A_251 {
        %mul3A_440 = arith.constant 50 : i32
        %mul3A_441 = arith.muli %add3A, %mul3A_440 : i32
        %add3A_442 = arith.addi %mul3A_441, %add3A_211 : i32
        %mul3A_443 = arith.constant 128 : i32
        %mul3A_444 = arith.muli %add3A_442, %mul3A_443 : i32
        %dma_wait3A_445 = arith.constant 0 : i32
        %dma_wait3A_446 = arith.constant 0 : i32
        %dma_wait3A_447 = arith.constant 0 : i32
        %dma_wait3A_448 = arith.constant 0 : i32
        %dma_wait3A_449 = tpu.memref_slice %arg6[%dma_wait3A_445, %dma_wait3A_447, %dma_wait3A_448] : memref<5x128x128xf32, #tpu.memory_space<vmem>> -> memref<1x128x64xf32, #tpu.memory_space<vmem>>
        %dma_wait3A_450 = tpu.memref_squeeze %dma_wait3A_449 : memref<1x128x64xf32, #tpu.memory_space<vmem>> -> memref<128x64xf32, #tpu.memory_space<vmem>>
        %dma_wait3A_451 = arith.constant 0 : i32
        %dma_wait3A_452 = tpu.memref_slice %arg4[%mul3A_444, %dma_wait3A_451] : memref<204800x64xf32, #tpu.memory_space<hbm>> -> memref<128x64xf32, #tpu.memory_space<hbm>>
        %dma_wait3A_453 = tpu.memref_slice %arg8[%dma_wait3A_446] : memref<5x!tpu.dma_semaphore, #tpu.memory_space<semaphore_mem>> -> memref<1x!tpu.dma_semaphore, #tpu.memory_space<semaphore_mem>>
        %dma_wait3A_454 = tpu.memref_squeeze %dma_wait3A_453 : memref<1x!tpu.dma_semaphore, #tpu.memory_space<semaphore_mem>> -> memref<!tpu.dma_semaphore, #tpu.memory_space<semaphore_mem>>
        %dma_wait3A_455 = arith.constant 0 : i32
        %dma_wait3A_456 = tpu.memref_slice %arg4[%mul3A_444, %dma_wait3A_455] : memref<204800x64xf32, #tpu.memory_space<hbm>> -> memref<128x64xf32, #tpu.memory_space<hbm>>
        %dma_wait3A_457 = arith.constant 0 : i32
        %dma_wait3A_458 = arith.constant 0 : i32
        %dma_wait3A_459 = tpu.memref_slice %arg6[%dma_wait3A_445, %dma_wait3A_457, %dma_wait3A_458] : memref<5x128x128xf32, #tpu.memory_space<vmem>> -> memref<1x128x64xf32, #tpu.memory_space<vmem>>
        %dma_wait3A_460 = tpu.memref_squeeze %dma_wait3A_459 : memref<1x128x64xf32, #tpu.memory_space<vmem>> -> memref<128x64xf32, #tpu.memory_space<vmem>>
        tpu.wait_dma2 semaphore(%dma_wait3A_454 : memref<!tpu.dma_semaphore, #tpu.memory_space<semaphore_mem>>) src(%dma_wait3A_460 : memref<128x64xf32, #tpu.memory_space<vmem>>) dst(%dma_wait3A_456 : memref<128x64xf32, #tpu.memory_space<hbm>>)
        %dma_start3A_461 = arith.constant 0 : i32
        %dma_start3A_462 = arith.constant 0 : i32
        %dma_start3A_463 = arith.constant 0 : i32
        %dma_start3A_464 = arith.constant 0 : i32
        %dma_start3A_465 = tpu.memref_slice %arg6[%dma_start3A_461, %dma_start3A_463, %dma_start3A_464] : memref<5x128x128xf32, #tpu.memory_space<vmem>> -> memref<1x128x128xf32, #tpu.memory_space<vmem>>
        %dma_start3A_466 = tpu.memref_squeeze %dma_start3A_465 : memref<1x128x128xf32, #tpu.memory_space<vmem>> -> memref<128x128xf32, #tpu.memory_space<vmem>>
        %dma_start3A_467 = arith.constant 0 : i32
        %dma_start3A_468 = tpu.memref_slice %arg5[%add3A_249, %dma_start3A_467] : memref<50x128xi32, #tpu.memory_space<vmem>> -> memref<1x128xi32, #tpu.memory_space<vmem>>
        %dma_start3A_469 = tpu.memref_squeeze %dma_start3A_468 : memref<1x128xi32, #tpu.memory_space<vmem>> -> memref<128xi32, #tpu.memory_space<vmem>>
        %dma_start3A_470 = arith.constant 0 : i32
        %dma_start3A_471 = arith.constant 0 : i32
        %dma_start3A_472 = tpu.memref_slice %arg3[%dma_start3A_470, %dma_start3A_471] : memref<1000000x128xf32, #tpu.memory_space<hbm>> -> memref<1000000x128xf32, #tpu.memory_space<hbm>>
        %dma_start3A_473 = tpu.memref_slice %arg7[%dma_start3A_462] : memref<5x!tpu.dma_semaphore, #tpu.memory_space<semaphore_mem>> -> memref<1x!tpu.dma_semaphore, #tpu.memory_space<semaphore_mem>>
        %dma_start3A_474 = tpu.memref_squeeze %dma_start3A_473 : memref<1x!tpu.dma_semaphore, #tpu.memory_space<semaphore_mem>> -> memref<!tpu.dma_semaphore, #tpu.memory_space<semaphore_mem>>
        tpu.enqueue_indirect_dma source(%dma_start3A_472 : memref<1000000x128xf32, #tpu.memory_space<hbm>>) target(%dma_start3A_466 : memref<128x128xf32, #tpu.memory_space<vmem>>) offsets(%dma_start3A_469 : memref<128xi32, #tpu.memory_space<vmem>>) semaphore(%dma_start3A_474 : memref<!tpu.dma_semaphore, #tpu.memory_space<semaphore_mem>>)
      } else {
      }
      %mul3A_252 = arith.constant 5 : i32
      %mul3A_253 = arith.muli %scan3A_207, %mul3A_252 : i32
      %add3A_254 = arith.constant 1 : i32
      %add3A_255 = arith.addi %mul3A_253, %add3A_254 : i32
      %dma_wait3A_256 = arith.constant 1 : i32
      %dma_wait3A_257 = arith.constant 1 : i32
      %dma_wait3A_258 = arith.constant 1 : i32
      %dma_wait3A_259 = arith.constant 0 : i32
      %dma_wait3A_260 = arith.constant 0 : i32
      %dma_wait3A_261 = tpu.memref_slice %arg6[%dma_wait3A_257, %dma_wait3A_259, %dma_wait3A_260] : memref<5x128x128xf32, #tpu.memory_space<vmem>> -> memref<1x128x128xf32, #tpu.memory_space<vmem>>
      %dma_wait3A_262 = tpu.memref_squeeze %dma_wait3A_261 : memref<1x128x128xf32, #tpu.memory_space<vmem>> -> memref<128x128xf32, #tpu.memory_space<vmem>>
      %dma_wait3A_263 = arith.constant 0 : i32
      %dma_wait3A_264 = tpu.memref_slice %arg5[%dma_wait3A_256, %dma_wait3A_263] : memref<50x128xi32, #tpu.memory_space<vmem>> -> memref<1x128xi32, #tpu.memory_space<vmem>>
      %dma_wait3A_265 = tpu.memref_squeeze %dma_wait3A_264 : memref<1x128xi32, #tpu.memory_space<vmem>> -> memref<128xi32, #tpu.memory_space<vmem>>
      %dma_wait3A_266 = arith.constant 0 : i32
      %dma_wait3A_267 = arith.constant 0 : i32
      %dma_wait3A_268 = tpu.memref_slice %arg3[%dma_wait3A_266, %dma_wait3A_267] : memref<1000000x128xf32, #tpu.memory_space<hbm>> -> memref<1000000x128xf32, #tpu.memory_space<hbm>>
      %dma_wait3A_269 = tpu.memref_slice %arg7[%dma_wait3A_258] : memref<5x!tpu.dma_semaphore, #tpu.memory_space<semaphore_mem>> -> memref<1x!tpu.dma_semaphore, #tpu.memory_space<semaphore_mem>>
      %dma_wait3A_270 = tpu.memref_squeeze %dma_wait3A_269 : memref<1x!tpu.dma_semaphore, #tpu.memory_space<semaphore_mem>> -> memref<!tpu.dma_semaphore, #tpu.memory_space<semaphore_mem>>
      tpu.wait_indirect_dma semaphore(%dma_wait3A_270 : memref<!tpu.dma_semaphore, #tpu.memory_space<semaphore_mem>>) src(%dma_wait3A_268 : memref<1000000x128xf32, #tpu.memory_space<hbm>>) dst(%dma_wait3A_262 : memref<128x128xf32, #tpu.memory_space<vmem>>)
      %mul3A_271 = arith.constant 50 : i32
      %mul3A_272 = arith.muli %add3A, %mul3A_271 : i32
      %add3A_273 = arith.addi %mul3A_272, %add3A_255 : i32
      %mul3A_274 = arith.constant 128 : i32
      %mul3A_275 = arith.muli %add3A_273, %mul3A_274 : i32
      %dma_start3A_276 = arith.constant 1 : i32
      %dma_start3A_277 = arith.constant 1 : i32
      %dma_start3A_278 = arith.constant 0 : i32
      %dma_start3A_279 = arith.constant 0 : i32
      %dma_start3A_280 = tpu.memref_slice %arg6[%dma_start3A_276, %dma_start3A_278, %dma_start3A_279] : memref<5x128x128xf32, #tpu.memory_space<vmem>> -> memref<1x128x64xf32, #tpu.memory_space<vmem>>
      %dma_start3A_281 = tpu.memref_squeeze %dma_start3A_280 : memref<1x128x64xf32, #tpu.memory_space<vmem>> -> memref<128x64xf32, #tpu.memory_space<vmem>>
      %dma_start3A_282 = arith.constant 0 : i32
      %dma_start3A_283 = tpu.memref_slice %arg4[%mul3A_275, %dma_start3A_282] : memref<204800x64xf32, #tpu.memory_space<hbm>> -> memref<128x64xf32, #tpu.memory_space<hbm>>
      %dma_start3A_284 = tpu.memref_slice %arg8[%dma_start3A_277] : memref<5x!tpu.dma_semaphore, #tpu.memory_space<semaphore_mem>> -> memref<1x!tpu.dma_semaphore, #tpu.memory_space<semaphore_mem>>
      %dma_start3A_285 = tpu.memref_squeeze %dma_start3A_284 : memref<1x!tpu.dma_semaphore, #tpu.memory_space<semaphore_mem>> -> memref<!tpu.dma_semaphore, #tpu.memory_space<semaphore_mem>>
      %dma_start3A_286 = arith.constant 0 : i32
      %dma_start3A_287 = tpu.memref_slice %arg4[%mul3A_275, %dma_start3A_286] : memref<204800x64xf32, #tpu.memory_space<hbm>> -> memref<128x64xf32, #tpu.memory_space<hbm>>
      %dma_start3A_288 = arith.constant 0 : i32
      %dma_start3A_289 = arith.constant 0 : i32
      %dma_start3A_290 = tpu.memref_slice %arg6[%dma_start3A_276, %dma_start3A_288, %dma_start3A_289] : memref<5x128x128xf32, #tpu.memory_space<vmem>> -> memref<1x128x64xf32, #tpu.memory_space<vmem>>
      %dma_start3A_291 = tpu.memref_squeeze %dma_start3A_290 : memref<1x128x64xf32, #tpu.memory_space<vmem>> -> memref<128x64xf32, #tpu.memory_space<vmem>>
      tpu.enqueue_dma source(%dma_start3A_291 : memref<128x64xf32, #tpu.memory_space<vmem>>) target(%dma_start3A_287 : memref<128x64xf32, #tpu.memory_space<hbm>>) target_semaphore(%dma_start3A_285 : memref<!tpu.dma_semaphore, #tpu.memory_space<semaphore_mem>>)
      %add3A_292 = arith.constant 5 : i32
      %add3A_293 = arith.addi %add3A_255, %add3A_292 : i32
      %lt3A_294 = arith.constant 50 : i32
      %lt3A_295 = arith.cmpi slt, %add3A_293, %lt3A_294 : i32
      %convert_element_type3A_296 = arith.extui %lt3A_295 : i1 to i32
      %cond3A_297 = arith.constant 0 : i32
      %cond3A_298 = arith.cmpi ne, %convert_element_type3A_296, %cond3A_297 : i32
      scf.if %cond3A_298 {
        %mul3A_440 = arith.constant 50 : i32
        %mul3A_441 = arith.muli %add3A, %mul3A_440 : i32
        %add3A_442 = arith.addi %mul3A_441, %add3A_255 : i32
        %mul3A_443 = arith.constant 128 : i32
        %mul3A_444 = arith.muli %add3A_442, %mul3A_443 : i32
        %dma_wait3A_445 = arith.constant 1 : i32
        %dma_wait3A_446 = arith.constant 1 : i32
        %dma_wait3A_447 = arith.constant 0 : i32
        %dma_wait3A_448 = arith.constant 0 : i32
        %dma_wait3A_449 = tpu.memref_slice %arg6[%dma_wait3A_445, %dma_wait3A_447, %dma_wait3A_448] : memref<5x128x128xf32, #tpu.memory_space<vmem>> -> memref<1x128x64xf32, #tpu.memory_space<vmem>>
        %dma_wait3A_450 = tpu.memref_squeeze %dma_wait3A_449 : memref<1x128x64xf32, #tpu.memory_space<vmem>> -> memref<128x64xf32, #tpu.memory_space<vmem>>
        %dma_wait3A_451 = arith.constant 0 : i32
        %dma_wait3A_452 = tpu.memref_slice %arg4[%mul3A_444, %dma_wait3A_451] : memref<204800x64xf32, #tpu.memory_space<hbm>> -> memref<128x64xf32, #tpu.memory_space<hbm>>
        %dma_wait3A_453 = tpu.memref_slice %arg8[%dma_wait3A_446] : memref<5x!tpu.dma_semaphore, #tpu.memory_space<semaphore_mem>> -> memref<1x!tpu.dma_semaphore, #tpu.memory_space<semaphore_mem>>
        %dma_wait3A_454 = tpu.memref_squeeze %dma_wait3A_453 : memref<1x!tpu.dma_semaphore, #tpu.memory_space<semaphore_mem>> -> memref<!tpu.dma_semaphore, #tpu.memory_space<semaphore_mem>>
        %dma_wait3A_455 = arith.constant 0 : i32
        %dma_wait3A_456 = tpu.memref_slice %arg4[%mul3A_444, %dma_wait3A_455] : memref<204800x64xf32, #tpu.memory_space<hbm>> -> memref<128x64xf32, #tpu.memory_space<hbm>>
        %dma_wait3A_457 = arith.constant 0 : i32
        %dma_wait3A_458 = arith.constant 0 : i32
        %dma_wait3A_459 = tpu.memref_slice %arg6[%dma_wait3A_445, %dma_wait3A_457, %dma_wait3A_458] : memref<5x128x128xf32, #tpu.memory_space<vmem>> -> memref<1x128x64xf32, #tpu.memory_space<vmem>>
        %dma_wait3A_460 = tpu.memref_squeeze %dma_wait3A_459 : memref<1x128x64xf32, #tpu.memory_space<vmem>> -> memref<128x64xf32, #tpu.memory_space<vmem>>
        tpu.wait_dma2 semaphore(%dma_wait3A_454 : memref<!tpu.dma_semaphore, #tpu.memory_space<semaphore_mem>>) src(%dma_wait3A_460 : memref<128x64xf32, #tpu.memory_space<vmem>>) dst(%dma_wait3A_456 : memref<128x64xf32, #tpu.memory_space<hbm>>)
        %dma_start3A_461 = arith.constant 1 : i32
        %dma_start3A_462 = arith.constant 1 : i32
        %dma_start3A_463 = arith.constant 0 : i32
        %dma_start3A_464 = arith.constant 0 : i32
        %dma_start3A_465 = tpu.memref_slice %arg6[%dma_start3A_461, %dma_start3A_463, %dma_start3A_464] : memref<5x128x128xf32, #tpu.memory_space<vmem>> -> memref<1x128x128xf32, #tpu.memory_space<vmem>>
        %dma_start3A_466 = tpu.memref_squeeze %dma_start3A_465 : memref<1x128x128xf32, #tpu.memory_space<vmem>> -> memref<128x128xf32, #tpu.memory_space<vmem>>
        %dma_start3A_467 = arith.constant 0 : i32
        %dma_start3A_468 = tpu.memref_slice %arg5[%add3A_293, %dma_start3A_467] : memref<50x128xi32, #tpu.memory_space<vmem>> -> memref<1x128xi32, #tpu.memory_space<vmem>>
        %dma_start3A_469 = tpu.memref_squeeze %dma_start3A_468 : memref<1x128xi32, #tpu.memory_space<vmem>> -> memref<128xi32, #tpu.memory_space<vmem>>
        %dma_start3A_470 = arith.constant 0 : i32
        %dma_start3A_471 = arith.constant 0 : i32
        %dma_start3A_472 = tpu.memref_slice %arg3[%dma_start3A_470, %dma_start3A_471] : memref<1000000x128xf32, #tpu.memory_space<hbm>> -> memref<1000000x128xf32, #tpu.memory_space<hbm>>
        %dma_start3A_473 = tpu.memref_slice %arg7[%dma_start3A_462] : memref<5x!tpu.dma_semaphore, #tpu.memory_space<semaphore_mem>> -> memref<1x!tpu.dma_semaphore, #tpu.memory_space<semaphore_mem>>
        %dma_start3A_474 = tpu.memref_squeeze %dma_start3A_473 : memref<1x!tpu.dma_semaphore, #tpu.memory_space<semaphore_mem>> -> memref<!tpu.dma_semaphore, #tpu.memory_space<semaphore_mem>>
        tpu.enqueue_indirect_dma source(%dma_start3A_472 : memref<1000000x128xf32, #tpu.memory_space<hbm>>) target(%dma_start3A_466 : memref<128x128xf32, #tpu.memory_space<vmem>>) offsets(%dma_start3A_469 : memref<128xi32, #tpu.memory_space<vmem>>) semaphore(%dma_start3A_474 : memref<!tpu.dma_semaphore, #tpu.memory_space<semaphore_mem>>)
      } else {
      }
      %mul3A_299 = arith.constant 5 : i32
      %mul3A_300 = arith.muli %scan3A_207, %mul3A_299 : i32
      %add3A_301 = arith.constant 2 : i32
      %add3A_302 = arith.addi %mul3A_300, %add3A_301 : i32
      %dma_wait3A_303 = arith.constant 2 : i32
      %dma_wait3A_304 = arith.constant 2 : i32
      %dma_wait3A_305 = arith.constant 2 : i32
      %dma_wait3A_306 = arith.constant 0 : i32
      %dma_wait3A_307 = arith.constant 0 : i32
      %dma_wait3A_308 = tpu.memref_slice %arg6[%dma_wait3A_304, %dma_wait3A_306, %dma_wait3A_307] : memref<5x128x128xf32, #tpu.memory_space<vmem>> -> memref<1x128x128xf32, #tpu.memory_space<vmem>>
      %dma_wait3A_309 = tpu.memref_squeeze %dma_wait3A_308 : memref<1x128x128xf32, #tpu.memory_space<vmem>> -> memref<128x128xf32, #tpu.memory_space<vmem>>
      %dma_wait3A_310 = arith.constant 0 : i32
      %dma_wait3A_311 = tpu.memref_slice %arg5[%dma_wait3A_303, %dma_wait3A_310] : memref<50x128xi32, #tpu.memory_space<vmem>> -> memref<1x128xi32, #tpu.memory_space<vmem>>
      %dma_wait3A_312 = tpu.memref_squeeze %dma_wait3A_311 : memref<1x128xi32, #tpu.memory_space<vmem>> -> memref<128xi32, #tpu.memory_space<vmem>>
      %dma_wait3A_313 = arith.constant 0 : i32
      %dma_wait3A_314 = arith.constant 0 : i32
      %dma_wait3A_315 = tpu.memref_slice %arg3[%dma_wait3A_313, %dma_wait3A_314] : memref<1000000x128xf32, #tpu.memory_space<hbm>> -> memref<1000000x128xf32, #tpu.memory_space<hbm>>
      %dma_wait3A_316 = tpu.memref_slice %arg7[%dma_wait3A_305] : memref<5x!tpu.dma_semaphore, #tpu.memory_space<semaphore_mem>> -> memref<1x!tpu.dma_semaphore, #tpu.memory_space<semaphore_mem>>
      %dma_wait3A_317 = tpu.memref_squeeze %dma_wait3A_316 : memref<1x!tpu.dma_semaphore, #tpu.memory_space<semaphore_mem>> -> memref<!tpu.dma_semaphore, #tpu.memory_space<semaphore_mem>>
      tpu.wait_indirect_dma semaphore(%dma_wait3A_317 : memref<!tpu.dma_semaphore, #tpu.memory_space<semaphore_mem>>) src(%dma_wait3A_315 : memref<1000000x128xf32, #tpu.memory_space<hbm>>) dst(%dma_wait3A_309 : memref<128x128xf32, #tpu.memory_space<vmem>>)
      %mul3A_318 = arith.constant 50 : i32
      %mul3A_319 = arith.muli %add3A, %mul3A_318 : i32
      %add3A_320 = arith.addi %mul3A_319, %add3A_302 : i32
      %mul3A_321 = arith.constant 128 : i32
      %mul3A_322 = arith.muli %add3A_320, %mul3A_321 : i32
      %dma_start3A_323 = arith.constant 2 : i32
      %dma_start3A_324 = arith.constant 2 : i32
      %dma_start3A_325 = arith.constant 0 : i32
      %dma_start3A_326 = arith.constant 0 : i32
      %dma_start3A_327 = tpu.memref_slice %arg6[%dma_start3A_323, %dma_start3A_325, %dma_start3A_326] : memref<5x128x128xf32, #tpu.memory_space<vmem>> -> memref<1x128x64xf32, #tpu.memory_space<vmem>>
      %dma_start3A_328 = tpu.memref_squeeze %dma_start3A_327 : memref<1x128x64xf32, #tpu.memory_space<vmem>> -> memref<128x64xf32, #tpu.memory_space<vmem>>
      %dma_start3A_329 = arith.constant 0 : i32
      %dma_start3A_330 = tpu.memref_slice %arg4[%mul3A_322, %dma_start3A_329] : memref<204800x64xf32, #tpu.memory_space<hbm>> -> memref<128x64xf32, #tpu.memory_space<hbm>>
      %dma_start3A_331 = tpu.memref_slice %arg8[%dma_start3A_324] : memref<5x!tpu.dma_semaphore, #tpu.memory_space<semaphore_mem>> -> memref<1x!tpu.dma_semaphore, #tpu.memory_space<semaphore_mem>>
      %dma_start3A_332 = tpu.memref_squeeze %dma_start3A_331 : memref<1x!tpu.dma_semaphore, #tpu.memory_space<semaphore_mem>> -> memref<!tpu.dma_semaphore, #tpu.memory_space<semaphore_mem>>
      %dma_start3A_333 = arith.constant 0 : i32
      %dma_start3A_334 = tpu.memref_slice %arg4[%mul3A_322, %dma_start3A_333] : memref<204800x64xf32, #tpu.memory_space<hbm>> -> memref<128x64xf32, #tpu.memory_space<hbm>>
      %dma_start3A_335 = arith.constant 0 : i32
      %dma_start3A_336 = arith.constant 0 : i32
      %dma_start3A_337 = tpu.memref_slice %arg6[%dma_start3A_323, %dma_start3A_335, %dma_start3A_336] : memref<5x128x128xf32, #tpu.memory_space<vmem>> -> memref<1x128x64xf32, #tpu.memory_space<vmem>>
      %dma_start3A_338 = tpu.memref_squeeze %dma_start3A_337 : memref<1x128x64xf32, #tpu.memory_space<vmem>> -> memref<128x64xf32, #tpu.memory_space<vmem>>
      tpu.enqueue_dma source(%dma_start3A_338 : memref<128x64xf32, #tpu.memory_space<vmem>>) target(%dma_start3A_334 : memref<128x64xf32, #tpu.memory_space<hbm>>) target_semaphore(%dma_start3A_332 : memref<!tpu.dma_semaphore, #tpu.memory_space<semaphore_mem>>)
      %add3A_339 = arith.constant 5 : i32
      %add3A_340 = arith.addi %add3A_302, %add3A_339 : i32
      %lt3A_341 = arith.constant 50 : i32
      %lt3A_342 = arith.cmpi slt, %add3A_340, %lt3A_341 : i32
      %convert_element_type3A_343 = arith.extui %lt3A_342 : i1 to i32
      %cond3A_344 = arith.constant 0 : i32
      %cond3A_345 = arith.cmpi ne, %convert_element_type3A_343, %cond3A_344 : i32
      scf.if %cond3A_345 {
        %mul3A_440 = arith.constant 50 : i32
        %mul3A_441 = arith.muli %add3A, %mul3A_440 : i32
        %add3A_442 = arith.addi %mul3A_441, %add3A_302 : i32
        %mul3A_443 = arith.constant 128 : i32
        %mul3A_444 = arith.muli %add3A_442, %mul3A_443 : i32
        %dma_wait3A_445 = arith.constant 2 : i32
        %dma_wait3A_446 = arith.constant 2 : i32
        %dma_wait3A_447 = arith.constant 0 : i32
        %dma_wait3A_448 = arith.constant 0 : i32
        %dma_wait3A_449 = tpu.memref_slice %arg6[%dma_wait3A_445, %dma_wait3A_447, %dma_wait3A_448] : memref<5x128x128xf32, #tpu.memory_space<vmem>> -> memref<1x128x64xf32, #tpu.memory_space<vmem>>
        %dma_wait3A_450 = tpu.memref_squeeze %dma_wait3A_449 : memref<1x128x64xf32, #tpu.memory_space<vmem>> -> memref<128x64xf32, #tpu.memory_space<vmem>>
        %dma_wait3A_451 = arith.constant 0 : i32
        %dma_wait3A_452 = tpu.memref_slice %arg4[%mul3A_444, %dma_wait3A_451] : memref<204800x64xf32, #tpu.memory_space<hbm>> -> memref<128x64xf32, #tpu.memory_space<hbm>>
        %dma_wait3A_453 = tpu.memref_slice %arg8[%dma_wait3A_446] : memref<5x!tpu.dma_semaphore, #tpu.memory_space<semaphore_mem>> -> memref<1x!tpu.dma_semaphore, #tpu.memory_space<semaphore_mem>>
        %dma_wait3A_454 = tpu.memref_squeeze %dma_wait3A_453 : memref<1x!tpu.dma_semaphore, #tpu.memory_space<semaphore_mem>> -> memref<!tpu.dma_semaphore, #tpu.memory_space<semaphore_mem>>
        %dma_wait3A_455 = arith.constant 0 : i32
        %dma_wait3A_456 = tpu.memref_slice %arg4[%mul3A_444, %dma_wait3A_455] : memref<204800x64xf32, #tpu.memory_space<hbm>> -> memref<128x64xf32, #tpu.memory_space<hbm>>
        %dma_wait3A_457 = arith.constant 0 : i32
        %dma_wait3A_458 = arith.constant 0 : i32
        %dma_wait3A_459 = tpu.memref_slice %arg6[%dma_wait3A_445, %dma_wait3A_457, %dma_wait3A_458] : memref<5x128x128xf32, #tpu.memory_space<vmem>> -> memref<1x128x64xf32, #tpu.memory_space<vmem>>
        %dma_wait3A_460 = tpu.memref_squeeze %dma_wait3A_459 : memref<1x128x64xf32, #tpu.memory_space<vmem>> -> memref<128x64xf32, #tpu.memory_space<vmem>>
        tpu.wait_dma2 semaphore(%dma_wait3A_454 : memref<!tpu.dma_semaphore, #tpu.memory_space<semaphore_mem>>) src(%dma_wait3A_460 : memref<128x64xf32, #tpu.memory_space<vmem>>) dst(%dma_wait3A_456 : memref<128x64xf32, #tpu.memory_space<hbm>>)
        %dma_start3A_461 = arith.constant 2 : i32
        %dma_start3A_462 = arith.constant 2 : i32
        %dma_start3A_463 = arith.constant 0 : i32
        %dma_start3A_464 = arith.constant 0 : i32
        %dma_start3A_465 = tpu.memref_slice %arg6[%dma_start3A_461, %dma_start3A_463, %dma_start3A_464] : memref<5x128x128xf32, #tpu.memory_space<vmem>> -> memref<1x128x128xf32, #tpu.memory_space<vmem>>
        %dma_start3A_466 = tpu.memref_squeeze %dma_start3A_465 : memref<1x128x128xf32, #tpu.memory_space<vmem>> -> memref<128x128xf32, #tpu.memory_space<vmem>>
        %dma_start3A_467 = arith.constant 0 : i32
        %dma_start3A_468 = tpu.memref_slice %arg5[%add3A_340, %dma_start3A_467] : memref<50x128xi32, #tpu.memory_space<vmem>> -> memref<1x128xi32, #tpu.memory_space<vmem>>
        %dma_start3A_469 = tpu.memref_squeeze %dma_start3A_468 : memref<1x128xi32, #tpu.memory_space<vmem>> -> memref<128xi32, #tpu.memory_space<vmem>>
        %dma_start3A_470 = arith.constant 0 : i32
        %dma_start3A_471 = arith.constant 0 : i32
        %dma_start3A_472 = tpu.memref_slice %arg3[%dma_start3A_470, %dma_start3A_471] : memref<1000000x128xf32, #tpu.memory_space<hbm>> -> memref<1000000x128xf32, #tpu.memory_space<hbm>>
        %dma_start3A_473 = tpu.memref_slice %arg7[%dma_start3A_462] : memref<5x!tpu.dma_semaphore, #tpu.memory_space<semaphore_mem>> -> memref<1x!tpu.dma_semaphore, #tpu.memory_space<semaphore_mem>>
        %dma_start3A_474 = tpu.memref_squeeze %dma_start3A_473 : memref<1x!tpu.dma_semaphore, #tpu.memory_space<semaphore_mem>> -> memref<!tpu.dma_semaphore, #tpu.memory_space<semaphore_mem>>
        tpu.enqueue_indirect_dma source(%dma_start3A_472 : memref<1000000x128xf32, #tpu.memory_space<hbm>>) target(%dma_start3A_466 : memref<128x128xf32, #tpu.memory_space<vmem>>) offsets(%dma_start3A_469 : memref<128xi32, #tpu.memory_space<vmem>>) semaphore(%dma_start3A_474 : memref<!tpu.dma_semaphore, #tpu.memory_space<semaphore_mem>>)
      } else {
      }
      %mul3A_346 = arith.constant 5 : i32
      %mul3A_347 = arith.muli %scan3A_207, %mul3A_346 : i32
      %add3A_348 = arith.constant 3 : i32
      %add3A_349 = arith.addi %mul3A_347, %add3A_348 : i32
      %dma_wait3A_350 = arith.constant 3 : i32
      %dma_wait3A_351 = arith.constant 3 : i32
      %dma_wait3A_352 = arith.constant 3 : i32
      %dma_wait3A_353 = arith.constant 0 : i32
      %dma_wait3A_354 = arith.constant 0 : i32
      %dma_wait3A_355 = tpu.memref_slice %arg6[%dma_wait3A_351, %dma_wait3A_353, %dma_wait3A_354] : memref<5x128x128xf32, #tpu.memory_space<vmem>> -> memref<1x128x128xf32, #tpu.memory_space<vmem>>
      %dma_wait3A_356 = tpu.memref_squeeze %dma_wait3A_355 : memref<1x128x128xf32, #tpu.memory_space<vmem>> -> memref<128x128xf32, #tpu.memory_space<vmem>>
      %dma_wait3A_357 = arith.constant 0 : i32
      %dma_wait3A_358 = tpu.memref_slice %arg5[%dma_wait3A_350, %dma_wait3A_357] : memref<50x128xi32, #tpu.memory_space<vmem>> -> memref<1x128xi32, #tpu.memory_space<vmem>>
      %dma_wait3A_359 = tpu.memref_squeeze %dma_wait3A_358 : memref<1x128xi32, #tpu.memory_space<vmem>> -> memref<128xi32, #tpu.memory_space<vmem>>
      %dma_wait3A_360 = arith.constant 0 : i32
      %dma_wait3A_361 = arith.constant 0 : i32
      %dma_wait3A_362 = tpu.memref_slice %arg3[%dma_wait3A_360, %dma_wait3A_361] : memref<1000000x128xf32, #tpu.memory_space<hbm>> -> memref<1000000x128xf32, #tpu.memory_space<hbm>>
      %dma_wait3A_363 = tpu.memref_slice %arg7[%dma_wait3A_352] : memref<5x!tpu.dma_semaphore, #tpu.memory_space<semaphore_mem>> -> memref<1x!tpu.dma_semaphore, #tpu.memory_space<semaphore_mem>>
      %dma_wait3A_364 = tpu.memref_squeeze %dma_wait3A_363 : memref<1x!tpu.dma_semaphore, #tpu.memory_space<semaphore_mem>> -> memref<!tpu.dma_semaphore, #tpu.memory_space<semaphore_mem>>
      tpu.wait_indirect_dma semaphore(%dma_wait3A_364 : memref<!tpu.dma_semaphore, #tpu.memory_space<semaphore_mem>>) src(%dma_wait3A_362 : memref<1000000x128xf32, #tpu.memory_space<hbm>>) dst(%dma_wait3A_356 : memref<128x128xf32, #tpu.memory_space<vmem>>)
      %mul3A_365 = arith.constant 50 : i32
      %mul3A_366 = arith.muli %add3A, %mul3A_365 : i32
      %add3A_367 = arith.addi %mul3A_366, %add3A_349 : i32
      %mul3A_368 = arith.constant 128 : i32
      %mul3A_369 = arith.muli %add3A_367, %mul3A_368 : i32
      %dma_start3A_370 = arith.constant 3 : i32
      %dma_start3A_371 = arith.constant 3 : i32
      %dma_start3A_372 = arith.constant 0 : i32
      %dma_start3A_373 = arith.constant 0 : i32
      %dma_start3A_374 = tpu.memref_slice %arg6[%dma_start3A_370, %dma_start3A_372, %dma_start3A_373] : memref<5x128x128xf32, #tpu.memory_space<vmem>> -> memref<1x128x64xf32, #tpu.memory_space<vmem>>
      %dma_start3A_375 = tpu.memref_squeeze %dma_start3A_374 : memref<1x128x64xf32, #tpu.memory_space<vmem>> -> memref<128x64xf32, #tpu.memory_space<vmem>>
      %dma_start3A_376 = arith.constant 0 : i32
      %dma_start3A_377 = tpu.memref_slice %arg4[%mul3A_369, %dma_start3A_376] : memref<204800x64xf32, #tpu.memory_space<hbm>> -> memref<128x64xf32, #tpu.memory_space<hbm>>
      %dma_start3A_378 = tpu.memref_slice %arg8[%dma_start3A_371] : memref<5x!tpu.dma_semaphore, #tpu.memory_space<semaphore_mem>> -> memref<1x!tpu.dma_semaphore, #tpu.memory_space<semaphore_mem>>
      %dma_start3A_379 = tpu.memref_squeeze %dma_start3A_378 : memref<1x!tpu.dma_semaphore, #tpu.memory_space<semaphore_mem>> -> memref<!tpu.dma_semaphore, #tpu.memory_space<semaphore_mem>>
      %dma_start3A_380 = arith.constant 0 : i32
      %dma_start3A_381 = tpu.memref_slice %arg4[%mul3A_369, %dma_start3A_380] : memref<204800x64xf32, #tpu.memory_space<hbm>> -> memref<128x64xf32, #tpu.memory_space<hbm>>
      %dma_start3A_382 = arith.constant 0 : i32
      %dma_start3A_383 = arith.constant 0 : i32
      %dma_start3A_384 = tpu.memref_slice %arg6[%dma_start3A_370, %dma_start3A_382, %dma_start3A_383] : memref<5x128x128xf32, #tpu.memory_space<vmem>> -> memref<1x128x64xf32, #tpu.memory_space<vmem>>
      %dma_start3A_385 = tpu.memref_squeeze %dma_start3A_384 : memref<1x128x64xf32, #tpu.memory_space<vmem>> -> memref<128x64xf32, #tpu.memory_space<vmem>>
      tpu.enqueue_dma source(%dma_start3A_385 : memref<128x64xf32, #tpu.memory_space<vmem>>) target(%dma_start3A_381 : memref<128x64xf32, #tpu.memory_space<hbm>>) target_semaphore(%dma_start3A_379 : memref<!tpu.dma_semaphore, #tpu.memory_space<semaphore_mem>>)
      %add3A_386 = arith.constant 5 : i32
      %add3A_387 = arith.addi %add3A_349, %add3A_386 : i32
      %lt3A_388 = arith.constant 50 : i32
      %lt3A_389 = arith.cmpi slt, %add3A_387, %lt3A_388 : i32
      %convert_element_type3A_390 = arith.extui %lt3A_389 : i1 to i32
      %cond3A_391 = arith.constant 0 : i32
      %cond3A_392 = arith.cmpi ne, %convert_element_type3A_390, %cond3A_391 : i32
      scf.if %cond3A_392 {
        %mul3A_440 = arith.constant 50 : i32
        %mul3A_441 = arith.muli %add3A, %mul3A_440 : i32
        %add3A_442 = arith.addi %mul3A_441, %add3A_349 : i32
        %mul3A_443 = arith.constant 128 : i32
        %mul3A_444 = arith.muli %add3A_442, %mul3A_443 : i32
        %dma_wait3A_445 = arith.constant 3 : i32
        %dma_wait3A_446 = arith.constant 3 : i32
        %dma_wait3A_447 = arith.constant 0 : i32
        %dma_wait3A_448 = arith.constant 0 : i32
        %dma_wait3A_449 = tpu.memref_slice %arg6[%dma_wait3A_445, %dma_wait3A_447, %dma_wait3A_448] : memref<5x128x128xf32, #tpu.memory_space<vmem>> -> memref<1x128x64xf32, #tpu.memory_space<vmem>>
        %dma_wait3A_450 = tpu.memref_squeeze %dma_wait3A_449 : memref<1x128x64xf32, #tpu.memory_space<vmem>> -> memref<128x64xf32, #tpu.memory_space<vmem>>
        %dma_wait3A_451 = arith.constant 0 : i32
        %dma_wait3A_452 = tpu.memref_slice %arg4[%mul3A_444, %dma_wait3A_451] : memref<204800x64xf32, #tpu.memory_space<hbm>> -> memref<128x64xf32, #tpu.memory_space<hbm>>
        %dma_wait3A_453 = tpu.memref_slice %arg8[%dma_wait3A_446] : memref<5x!tpu.dma_semaphore, #tpu.memory_space<semaphore_mem>> -> memref<1x!tpu.dma_semaphore, #tpu.memory_space<semaphore_mem>>
        %dma_wait3A_454 = tpu.memref_squeeze %dma_wait3A_453 : memref<1x!tpu.dma_semaphore, #tpu.memory_space<semaphore_mem>> -> memref<!tpu.dma_semaphore, #tpu.memory_space<semaphore_mem>>
        %dma_wait3A_455 = arith.constant 0 : i32
        %dma_wait3A_456 = tpu.memref_slice %arg4[%mul3A_444, %dma_wait3A_455] : memref<204800x64xf32, #tpu.memory_space<hbm>> -> memref<128x64xf32, #tpu.memory_space<hbm>>
        %dma_wait3A_457 = arith.constant 0 : i32
        %dma_wait3A_458 = arith.constant 0 : i32
        %dma_wait3A_459 = tpu.memref_slice %arg6[%dma_wait3A_445, %dma_wait3A_457, %dma_wait3A_458] : memref<5x128x128xf32, #tpu.memory_space<vmem>> -> memref<1x128x64xf32, #tpu.memory_space<vmem>>
        %dma_wait3A_460 = tpu.memref_squeeze %dma_wait3A_459 : memref<1x128x64xf32, #tpu.memory_space<vmem>> -> memref<128x64xf32, #tpu.memory_space<vmem>>
        tpu.wait_dma2 semaphore(%dma_wait3A_454 : memref<!tpu.dma_semaphore, #tpu.memory_space<semaphore_mem>>) src(%dma_wait3A_460 : memref<128x64xf32, #tpu.memory_space<vmem>>) dst(%dma_wait3A_456 : memref<128x64xf32, #tpu.memory_space<hbm>>)
        %dma_start3A_461 = arith.constant 3 : i32
        %dma_start3A_462 = arith.constant 3 : i32
        %dma_start3A_463 = arith.constant 0 : i32
        %dma_start3A_464 = arith.constant 0 : i32
        %dma_start3A_465 = tpu.memref_slice %arg6[%dma_start3A_461, %dma_start3A_463, %dma_start3A_464] : memref<5x128x128xf32, #tpu.memory_space<vmem>> -> memref<1x128x128xf32, #tpu.memory_space<vmem>>
        %dma_start3A_466 = tpu.memref_squeeze %dma_start3A_465 : memref<1x128x128xf32, #tpu.memory_space<vmem>> -> memref<128x128xf32, #tpu.memory_space<vmem>>
        %dma_start3A_467 = arith.constant 0 : i32
        %dma_start3A_468 = tpu.memref_slice %arg5[%add3A_387, %dma_start3A_467] : memref<50x128xi32, #tpu.memory_space<vmem>> -> memref<1x128xi32, #tpu.memory_space<vmem>>
        %dma_start3A_469 = tpu.memref_squeeze %dma_start3A_468 : memref<1x128xi32, #tpu.memory_space<vmem>> -> memref<128xi32, #tpu.memory_space<vmem>>
        %dma_start3A_470 = arith.constant 0 : i32
        %dma_start3A_471 = arith.constant 0 : i32
        %dma_start3A_472 = tpu.memref_slice %arg3[%dma_start3A_470, %dma_start3A_471] : memref<1000000x128xf32, #tpu.memory_space<hbm>> -> memref<1000000x128xf32, #tpu.memory_space<hbm>>
        %dma_start3A_473 = tpu.memref_slice %arg7[%dma_start3A_462] : memref<5x!tpu.dma_semaphore, #tpu.memory_space<semaphore_mem>> -> memref<1x!tpu.dma_semaphore, #tpu.memory_space<semaphore_mem>>
        %dma_start3A_474 = tpu.memref_squeeze %dma_start3A_473 : memref<1x!tpu.dma_semaphore, #tpu.memory_space<semaphore_mem>> -> memref<!tpu.dma_semaphore, #tpu.memory_space<semaphore_mem>>
        tpu.enqueue_indirect_dma source(%dma_start3A_472 : memref<1000000x128xf32, #tpu.memory_space<hbm>>) target(%dma_start3A_466 : memref<128x128xf32, #tpu.memory_space<vmem>>) offsets(%dma_start3A_469 : memref<128xi32, #tpu.memory_space<vmem>>) semaphore(%dma_start3A_474 : memref<!tpu.dma_semaphore, #tpu.memory_space<semaphore_mem>>)
      } else {
      }
      %mul3A_393 = arith.constant 5 : i32
      %mul3A_394 = arith.muli %scan3A_207, %mul3A_393 : i32
      %add3A_395 = arith.constant 4 : i32
      %add3A_396 = arith.addi %mul3A_394, %add3A_395 : i32
      %dma_wait3A_397 = arith.constant 4 : i32
      %dma_wait3A_398 = arith.constant 4 : i32
      %dma_wait3A_399 = arith.constant 4 : i32
      %dma_wait3A_400 = arith.constant 0 : i32
      %dma_wait3A_401 = arith.constant 0 : i32
      %dma_wait3A_402 = tpu.memref_slice %arg6[%dma_wait3A_398, %dma_wait3A_400, %dma_wait3A_401] : memref<5x128x128xf32, #tpu.memory_space<vmem>> -> memref<1x128x128xf32, #tpu.memory_space<vmem>>
      %dma_wait3A_403 = tpu.memref_squeeze %dma_wait3A_402 : memref<1x128x128xf32, #tpu.memory_space<vmem>> -> memref<128x128xf32, #tpu.memory_space<vmem>>
      %dma_wait3A_404 = arith.constant 0 : i32
      %dma_wait3A_405 = tpu.memref_slice %arg5[%dma_wait3A_397, %dma_wait3A_404] : memref<50x128xi32, #tpu.memory_space<vmem>> -> memref<1x128xi32, #tpu.memory_space<vmem>>
      %dma_wait3A_406 = tpu.memref_squeeze %dma_wait3A_405 : memref<1x128xi32, #tpu.memory_space<vmem>> -> memref<128xi32, #tpu.memory_space<vmem>>
      %dma_wait3A_407 = arith.constant 0 : i32
      %dma_wait3A_408 = arith.constant 0 : i32
      %dma_wait3A_409 = tpu.memref_slice %arg3[%dma_wait3A_407, %dma_wait3A_408] : memref<1000000x128xf32, #tpu.memory_space<hbm>> -> memref<1000000x128xf32, #tpu.memory_space<hbm>>
      %dma_wait3A_410 = tpu.memref_slice %arg7[%dma_wait3A_399] : memref<5x!tpu.dma_semaphore, #tpu.memory_space<semaphore_mem>> -> memref<1x!tpu.dma_semaphore, #tpu.memory_space<semaphore_mem>>
      %dma_wait3A_411 = tpu.memref_squeeze %dma_wait3A_410 : memref<1x!tpu.dma_semaphore, #tpu.memory_space<semaphore_mem>> -> memref<!tpu.dma_semaphore, #tpu.memory_space<semaphore_mem>>
      tpu.wait_indirect_dma semaphore(%dma_wait3A_411 : memref<!tpu.dma_semaphore, #tpu.memory_space<semaphore_mem>>) src(%dma_wait3A_409 : memref<1000000x128xf32, #tpu.memory_space<hbm>>) dst(%dma_wait3A_403 : memref<128x128xf32, #tpu.memory_space<vmem>>)
      %mul3A_412 = arith.constant 50 : i32
      %mul3A_413 = arith.muli %add3A, %mul3A_412 : i32
      %add3A_414 = arith.addi %mul3A_413, %add3A_396 : i32
      %mul3A_415 = arith.constant 128 : i32
      %mul3A_416 = arith.muli %add3A_414, %mul3A_415 : i32
      %dma_start3A_417 = arith.constant 4 : i32
      %dma_start3A_418 = arith.constant 4 : i32
      %dma_start3A_419 = arith.constant 0 : i32
      %dma_start3A_420 = arith.constant 0 : i32
      %dma_start3A_421 = tpu.memref_slice %arg6[%dma_start3A_417, %dma_start3A_419, %dma_start3A_420] : memref<5x128x128xf32, #tpu.memory_space<vmem>> -> memref<1x128x64xf32, #tpu.memory_space<vmem>>
      %dma_start3A_422 = tpu.memref_squeeze %dma_start3A_421 : memref<1x128x64xf32, #tpu.memory_space<vmem>> -> memref<128x64xf32, #tpu.memory_space<vmem>>
      %dma_start3A_423 = arith.constant 0 : i32
      %dma_start3A_424 = tpu.memref_slice %arg4[%mul3A_416, %dma_start3A_423] : memref<204800x64xf32, #tpu.memory_space<hbm>> -> memref<128x64xf32, #tpu.memory_space<hbm>>
      %dma_start3A_425 = tpu.memref_slice %arg8[%dma_start3A_418] : memref<5x!tpu.dma_semaphore, #tpu.memory_space<semaphore_mem>> -> memref<1x!tpu.dma_semaphore, #tpu.memory_space<semaphore_mem>>
      %dma_start3A_426 = tpu.memref_squeeze %dma_start3A_425 : memref<1x!tpu.dma_semaphore, #tpu.memory_space<semaphore_mem>> -> memref<!tpu.dma_semaphore, #tpu.memory_space<semaphore_mem>>
      %dma_start3A_427 = arith.constant 0 : i32
      %dma_start3A_428 = tpu.memref_slice %arg4[%mul3A_416, %dma_start3A_427] : memref<204800x64xf32, #tpu.memory_space<hbm>> -> memref<128x64xf32, #tpu.memory_space<hbm>>
      %dma_start3A_429 = arith.constant 0 : i32
      %dma_start3A_430 = arith.constant 0 : i32
      %dma_start3A_431 = tpu.memref_slice %arg6[%dma_start3A_417, %dma_start3A_429, %dma_start3A_430] : memref<5x128x128xf32, #tpu.memory_space<vmem>> -> memref<1x128x64xf32, #tpu.memory_space<vmem>>
      %dma_start3A_432 = tpu.memref_squeeze %dma_start3A_431 : memref<1x128x64xf32, #tpu.memory_space<vmem>> -> memref<128x64xf32, #tpu.memory_space<vmem>>
      tpu.enqueue_dma source(%dma_start3A_432 : memref<128x64xf32, #tpu.memory_space<vmem>>) target(%dma_start3A_428 : memref<128x64xf32, #tpu.memory_space<hbm>>) target_semaphore(%dma_start3A_426 : memref<!tpu.dma_semaphore, #tpu.memory_space<semaphore_mem>>)
      %add3A_433 = arith.constant 5 : i32
      %add3A_434 = arith.addi %add3A_396, %add3A_433 : i32
      %lt3A_435 = arith.constant 50 : i32
      %lt3A_436 = arith.cmpi slt, %add3A_434, %lt3A_435 : i32
      %convert_element_type3A_437 = arith.extui %lt3A_436 : i1 to i32
      %cond3A_438 = arith.constant 0 : i32
      %cond3A_439 = arith.cmpi ne, %convert_element_type3A_437, %cond3A_438 : i32
      scf.if %cond3A_439 {
        %mul3A_440 = arith.constant 50 : i32
        %mul3A_441 = arith.muli %add3A, %mul3A_440 : i32
        %add3A_442 = arith.addi %mul3A_441, %add3A_396 : i32
        %mul3A_443 = arith.constant 128 : i32
        %mul3A_444 = arith.muli %add3A_442, %mul3A_443 : i32
        %dma_wait3A_445 = arith.constant 4 : i32
        %dma_wait3A_446 = arith.constant 4 : i32
        %dma_wait3A_447 = arith.constant 0 : i32
        %dma_wait3A_448 = arith.constant 0 : i32
        %dma_wait3A_449 = tpu.memref_slice %arg6[%dma_wait3A_445, %dma_wait3A_447, %dma_wait3A_448] : memref<5x128x128xf32, #tpu.memory_space<vmem>> -> memref<1x128x64xf32, #tpu.memory_space<vmem>>
        %dma_wait3A_450 = tpu.memref_squeeze %dma_wait3A_449 : memref<1x128x64xf32, #tpu.memory_space<vmem>> -> memref<128x64xf32, #tpu.memory_space<vmem>>
        %dma_wait3A_451 = arith.constant 0 : i32
        %dma_wait3A_452 = tpu.memref_slice %arg4[%mul3A_444, %dma_wait3A_451] : memref<204800x64xf32, #tpu.memory_space<hbm>> -> memref<128x64xf32, #tpu.memory_space<hbm>>
        %dma_wait3A_453 = tpu.memref_slice %arg8[%dma_wait3A_446] : memref<5x!tpu.dma_semaphore, #tpu.memory_space<semaphore_mem>> -> memref<1x!tpu.dma_semaphore, #tpu.memory_space<semaphore_mem>>
        %dma_wait3A_454 = tpu.memref_squeeze %dma_wait3A_453 : memref<1x!tpu.dma_semaphore, #tpu.memory_space<semaphore_mem>> -> memref<!tpu.dma_semaphore, #tpu.memory_space<semaphore_mem>>
        %dma_wait3A_455 = arith.constant 0 : i32
        %dma_wait3A_456 = tpu.memref_slice %arg4[%mul3A_444, %dma_wait3A_455] : memref<204800x64xf32, #tpu.memory_space<hbm>> -> memref<128x64xf32, #tpu.memory_space<hbm>>
        %dma_wait3A_457 = arith.constant 0 : i32
        %dma_wait3A_458 = arith.constant 0 : i32
        %dma_wait3A_459 = tpu.memref_slice %arg6[%dma_wait3A_445, %dma_wait3A_457, %dma_wait3A_458] : memref<5x128x128xf32, #tpu.memory_space<vmem>> -> memref<1x128x64xf32, #tpu.memory_space<vmem>>
        %dma_wait3A_460 = tpu.memref_squeeze %dma_wait3A_459 : memref<1x128x64xf32, #tpu.memory_space<vmem>> -> memref<128x64xf32, #tpu.memory_space<vmem>>
        tpu.wait_dma2 semaphore(%dma_wait3A_454 : memref<!tpu.dma_semaphore, #tpu.memory_space<semaphore_mem>>) src(%dma_wait3A_460 : memref<128x64xf32, #tpu.memory_space<vmem>>) dst(%dma_wait3A_456 : memref<128x64xf32, #tpu.memory_space<hbm>>)
        %dma_start3A_461 = arith.constant 4 : i32
        %dma_start3A_462 = arith.constant 4 : i32
        %dma_start3A_463 = arith.constant 0 : i32
        %dma_start3A_464 = arith.constant 0 : i32
        %dma_start3A_465 = tpu.memref_slice %arg6[%dma_start3A_461, %dma_start3A_463, %dma_start3A_464] : memref<5x128x128xf32, #tpu.memory_space<vmem>> -> memref<1x128x128xf32, #tpu.memory_space<vmem>>
        %dma_start3A_466 = tpu.memref_squeeze %dma_start3A_465 : memref<1x128x128xf32, #tpu.memory_space<vmem>> -> memref<128x128xf32, #tpu.memory_space<vmem>>
        %dma_start3A_467 = arith.constant 0 : i32
        %dma_start3A_468 = tpu.memref_slice %arg5[%add3A_434, %dma_start3A_467] : memref<50x128xi32, #tpu.memory_space<vmem>> -> memref<1x128xi32, #tpu.memory_space<vmem>>
        %dma_start3A_469 = tpu.memref_squeeze %dma_start3A_468 : memref<1x128xi32, #tpu.memory_space<vmem>> -> memref<128xi32, #tpu.memory_space<vmem>>
        %dma_start3A_470 = arith.constant 0 : i32
        %dma_start3A_471 = arith.constant 0 : i32
        %dma_start3A_472 = tpu.memref_slice %arg3[%dma_start3A_470, %dma_start3A_471] : memref<1000000x128xf32, #tpu.memory_space<hbm>> -> memref<1000000x128xf32, #tpu.memory_space<hbm>>
        %dma_start3A_473 = tpu.memref_slice %arg7[%dma_start3A_462] : memref<5x!tpu.dma_semaphore, #tpu.memory_space<semaphore_mem>> -> memref<1x!tpu.dma_semaphore, #tpu.memory_space<semaphore_mem>>
        %dma_start3A_474 = tpu.memref_squeeze %dma_start3A_473 : memref<1x!tpu.dma_semaphore, #tpu.memory_space<semaphore_mem>> -> memref<!tpu.dma_semaphore, #tpu.memory_space<semaphore_mem>>
        tpu.enqueue_indirect_dma source(%dma_start3A_472 : memref<1000000x128xf32, #tpu.memory_space<hbm>>) target(%dma_start3A_466 : memref<128x128xf32, #tpu.memory_space<vmem>>) offsets(%dma_start3A_469 : memref<128xi32, #tpu.memory_space<vmem>>) semaphore(%dma_start3A_474 : memref<!tpu.dma_semaphore, #tpu.memory_space<semaphore_mem>>)
      } else {
      }
    }
    %scan3A_78 = arith.constant 10 : i32
    %mul3A_79 = arith.constant 50 : i32
    %mul3A_80 = arith.muli %add3A, %mul3A_79 : i32
    %add3A_81 = arith.constant 50 : i32
    %add3A_82 = arith.addi %mul3A_80, %add3A_81 : i32
    %sub3A = arith.constant 5 : i32
    %sub3A_83 = arith.subi %add3A_82, %sub3A : i32
    %add3A_84 = arith.constant 0 : i32
    %add3A_85 = arith.addi %sub3A_83, %add3A_84 : i32
    %mul3A_86 = arith.constant 128 : i32
    %mul3A_87 = arith.muli %add3A_85, %mul3A_86 : i32
    %dma_wait3A = arith.constant 0 : i32
    %dma_wait3A_88 = arith.constant 0 : i32
    %dma_wait3A_89 = arith.constant 0 : i32
    %dma_wait3A_90 = arith.constant 0 : i32
    %dma_wait3A_91 = tpu.memref_slice %arg6[%dma_wait3A, %dma_wait3A_89, %dma_wait3A_90] : memref<5x128x128xf32, #tpu.memory_space<vmem>> -> memref<1x128x64xf32, #tpu.memory_space<vmem>>
    %dma_wait3A_92 = tpu.memref_squeeze %dma_wait3A_91 : memref<1x128x64xf32, #tpu.memory_space<vmem>> -> memref<128x64xf32, #tpu.memory_space<vmem>>
    %dma_wait3A_93 = arith.constant 0 : i32
    %dma_wait3A_94 = tpu.memref_slice %arg4[%mul3A_87, %dma_wait3A_93] : memref<204800x64xf32, #tpu.memory_space<hbm>> -> memref<128x64xf32, #tpu.memory_space<hbm>>
    %dma_wait3A_95 = tpu.memref_slice %arg8[%dma_wait3A_88] : memref<5x!tpu.dma_semaphore, #tpu.memory_space<semaphore_mem>> -> memref<1x!tpu.dma_semaphore, #tpu.memory_space<semaphore_mem>>
    %dma_wait3A_96 = tpu.memref_squeeze %dma_wait3A_95 : memref<1x!tpu.dma_semaphore, #tpu.memory_space<semaphore_mem>> -> memref<!tpu.dma_semaphore, #tpu.memory_space<semaphore_mem>>
    %dma_wait3A_97 = arith.constant 0 : i32
    %dma_wait3A_98 = tpu.memref_slice %arg4[%mul3A_87, %dma_wait3A_97] : memref<204800x64xf32, #tpu.memory_space<hbm>> -> memref<128x64xf32, #tpu.memory_space<hbm>>
    %dma_wait3A_99 = arith.constant 0 : i32
    %dma_wait3A_100 = arith.constant 0 : i32
    %dma_wait3A_101 = tpu.memref_slice %arg6[%dma_wait3A, %dma_wait3A_99, %dma_wait3A_100] : memref<5x128x128xf32, #tpu.memory_space<vmem>> -> memref<1x128x64xf32, #tpu.memory_space<vmem>>
    %dma_wait3A_102 = tpu.memref_squeeze %dma_wait3A_101 : memref<1x128x64xf32, #tpu.memory_space<vmem>> -> memref<128x64xf32, #tpu.memory_space<vmem>>
    tpu.wait_dma2 semaphore(%dma_wait3A_96 : memref<!tpu.dma_semaphore, #tpu.memory_space<semaphore_mem>>) src(%dma_wait3A_102 : memref<128x64xf32, #tpu.memory_space<vmem>>) dst(%dma_wait3A_98 : memref<128x64xf32, #tpu.memory_space<hbm>>)
    %mul3A_103 = arith.constant 50 : i32
    %mul3A_104 = arith.muli %add3A, %mul3A_103 : i32
    %add3A_105 = arith.constant 50 : i32
    %add3A_106 = arith.addi %mul3A_104, %add3A_105 : i32
    %sub3A_107 = arith.constant 5 : i32
    %sub3A_108 = arith.subi %add3A_106, %sub3A_107 : i32
    %add3A_109 = arith.constant 1 : i32
    %add3A_110 = arith.addi %sub3A_108, %add3A_109 : i32
    %mul3A_111 = arith.constant 128 : i32
    %mul3A_112 = arith.muli %add3A_110, %mul3A_111 : i32
    %dma_wait3A_113 = arith.constant 1 : i32
    %dma_wait3A_114 = arith.constant 1 : i32
    %dma_wait3A_115 = arith.constant 0 : i32
    %dma_wait3A_116 = arith.constant 0 : i32
    %dma_wait3A_117 = tpu.memref_slice %arg6[%dma_wait3A_113, %dma_wait3A_115, %dma_wait3A_116] : memref<5x128x128xf32, #tpu.memory_space<vmem>> -> memref<1x128x64xf32, #tpu.memory_space<vmem>>
    %dma_wait3A_118 = tpu.memref_squeeze %dma_wait3A_117 : memref<1x128x64xf32, #tpu.memory_space<vmem>> -> memref<128x64xf32, #tpu.memory_space<vmem>>
    %dma_wait3A_119 = arith.constant 0 : i32
    %dma_wait3A_120 = tpu.memref_slice %arg4[%mul3A_112, %dma_wait3A_119] : memref<204800x64xf32, #tpu.memory_space<hbm>> -> memref<128x64xf32, #tpu.memory_space<hbm>>
    %dma_wait3A_121 = tpu.memref_slice %arg8[%dma_wait3A_114] : memref<5x!tpu.dma_semaphore, #tpu.memory_space<semaphore_mem>> -> memref<1x!tpu.dma_semaphore, #tpu.memory_space<semaphore_mem>>
    %dma_wait3A_122 = tpu.memref_squeeze %dma_wait3A_121 : memref<1x!tpu.dma_semaphore, #tpu.memory_space<semaphore_mem>> -> memref<!tpu.dma_semaphore, #tpu.memory_space<semaphore_mem>>
    %dma_wait3A_123 = arith.constant 0 : i32
    %dma_wait3A_124 = tpu.memref_slice %arg4[%mul3A_112, %dma_wait3A_123] : memref<204800x64xf32, #tpu.memory_space<hbm>> -> memref<128x64xf32, #tpu.memory_space<hbm>>
    %dma_wait3A_125 = arith.constant 0 : i32
    %dma_wait3A_126 = arith.constant 0 : i32
    %dma_wait3A_127 = tpu.memref_slice %arg6[%dma_wait3A_113, %dma_wait3A_125, %dma_wait3A_126] : memref<5x128x128xf32, #tpu.memory_space<vmem>> -> memref<1x128x64xf32, #tpu.memory_space<vmem>>
    %dma_wait3A_128 = tpu.memref_squeeze %dma_wait3A_127 : memref<1x128x64xf32, #tpu.memory_space<vmem>> -> memref<128x64xf32, #tpu.memory_space<vmem>>
    tpu.wait_dma2 semaphore(%dma_wait3A_122 : memref<!tpu.dma_semaphore, #tpu.memory_space<semaphore_mem>>) src(%dma_wait3A_128 : memref<128x64xf32, #tpu.memory_space<vmem>>) dst(%dma_wait3A_124 : memref<128x64xf32, #tpu.memory_space<hbm>>)
    %mul3A_129 = arith.constant 50 : i32
    %mul3A_130 = arith.muli %add3A, %mul3A_129 : i32
    %add3A_131 = arith.constant 50 : i32
    %add3A_132 = arith.addi %mul3A_130, %add3A_131 : i32
    %sub3A_133 = arith.constant 5 : i32
    %sub3A_134 = arith.subi %add3A_132, %sub3A_133 : i32
    %add3A_135 = arith.constant 2 : i32
    %add3A_136 = arith.addi %sub3A_134, %add3A_135 : i32
    %mul3A_137 = arith.constant 128 : i32
    %mul3A_138 = arith.muli %add3A_136, %mul3A_137 : i32
    %dma_wait3A_139 = arith.constant 2 : i32
    %dma_wait3A_140 = arith.constant 2 : i32
    %dma_wait3A_141 = arith.constant 0 : i32
    %dma_wait3A_142 = arith.constant 0 : i32
    %dma_wait3A_143 = tpu.memref_slice %arg6[%dma_wait3A_139, %dma_wait3A_141, %dma_wait3A_142] : memref<5x128x128xf32, #tpu.memory_space<vmem>> -> memref<1x128x64xf32, #tpu.memory_space<vmem>>
    %dma_wait3A_144 = tpu.memref_squeeze %dma_wait3A_143 : memref<1x128x64xf32, #tpu.memory_space<vmem>> -> memref<128x64xf32, #tpu.memory_space<vmem>>
    %dma_wait3A_145 = arith.constant 0 : i32
    %dma_wait3A_146 = tpu.memref_slice %arg4[%mul3A_138, %dma_wait3A_145] : memref<204800x64xf32, #tpu.memory_space<hbm>> -> memref<128x64xf32, #tpu.memory_space<hbm>>
    %dma_wait3A_147 = tpu.memref_slice %arg8[%dma_wait3A_140] : memref<5x!tpu.dma_semaphore, #tpu.memory_space<semaphore_mem>> -> memref<1x!tpu.dma_semaphore, #tpu.memory_space<semaphore_mem>>
    %dma_wait3A_148 = tpu.memref_squeeze %dma_wait3A_147 : memref<1x!tpu.dma_semaphore, #tpu.memory_space<semaphore_mem>> -> memref<!tpu.dma_semaphore, #tpu.memory_space<semaphore_mem>>
    %dma_wait3A_149 = arith.constant 0 : i32
    %dma_wait3A_150 = tpu.memref_slice %arg4[%mul3A_138, %dma_wait3A_149] : memref<204800x64xf32, #tpu.memory_space<hbm>> -> memref<128x64xf32, #tpu.memory_space<hbm>>
    %dma_wait3A_151 = arith.constant 0 : i32
    %dma_wait3A_152 = arith.constant 0 : i32
    %dma_wait3A_153 = tpu.memref_slice %arg6[%dma_wait3A_139, %dma_wait3A_151, %dma_wait3A_152] : memref<5x128x128xf32, #tpu.memory_space<vmem>> -> memref<1x128x64xf32, #tpu.memory_space<vmem>>
    %dma_wait3A_154 = tpu.memref_squeeze %dma_wait3A_153 : memref<1x128x64xf32, #tpu.memory_space<vmem>> -> memref<128x64xf32, #tpu.memory_space<vmem>>
    tpu.wait_dma2 semaphore(%dma_wait3A_148 : memref<!tpu.dma_semaphore, #tpu.memory_space<semaphore_mem>>) src(%dma_wait3A_154 : memref<128x64xf32, #tpu.memory_space<vmem>>) dst(%dma_wait3A_150 : memref<128x64xf32, #tpu.memory_space<hbm>>)
    %mul3A_155 = arith.constant 50 : i32
    %mul3A_156 = arith.muli %add3A, %mul3A_155 : i32
    %add3A_157 = arith.constant 50 : i32
    %add3A_158 = arith.addi %mul3A_156, %add3A_157 : i32
    %sub3A_159 = arith.constant 5 : i32
    %sub3A_160 = arith.subi %add3A_158, %sub3A_159 : i32
    %add3A_161 = arith.constant 3 : i32
    %add3A_162 = arith.addi %sub3A_160, %add3A_161 : i32
    %mul3A_163 = arith.constant 128 : i32
    %mul3A_164 = arith.muli %add3A_162, %mul3A_163 : i32
    %dma_wait3A_165 = arith.constant 3 : i32
    %dma_wait3A_166 = arith.constant 3 : i32
    %dma_wait3A_167 = arith.constant 0 : i32
    %dma_wait3A_168 = arith.constant 0 : i32
    %dma_wait3A_169 = tpu.memref_slice %arg6[%dma_wait3A_165, %dma_wait3A_167, %dma_wait3A_168] : memref<5x128x128xf32, #tpu.memory_space<vmem>> -> memref<1x128x64xf32, #tpu.memory_space<vmem>>
    %dma_wait3A_170 = tpu.memref_squeeze %dma_wait3A_169 : memref<1x128x64xf32, #tpu.memory_space<vmem>> -> memref<128x64xf32, #tpu.memory_space<vmem>>
    %dma_wait3A_171 = arith.constant 0 : i32
    %dma_wait3A_172 = tpu.memref_slice %arg4[%mul3A_164, %dma_wait3A_171] : memref<204800x64xf32, #tpu.memory_space<hbm>> -> memref<128x64xf32, #tpu.memory_space<hbm>>
    %dma_wait3A_173 = tpu.memref_slice %arg8[%dma_wait3A_166] : memref<5x!tpu.dma_semaphore, #tpu.memory_space<semaphore_mem>> -> memref<1x!tpu.dma_semaphore, #tpu.memory_space<semaphore_mem>>
    %dma_wait3A_174 = tpu.memref_squeeze %dma_wait3A_173 : memref<1x!tpu.dma_semaphore, #tpu.memory_space<semaphore_mem>> -> memref<!tpu.dma_semaphore, #tpu.memory_space<semaphore_mem>>
    %dma_wait3A_175 = arith.constant 0 : i32
    %dma_wait3A_176 = tpu.memref_slice %arg4[%mul3A_164, %dma_wait3A_175] : memref<204800x64xf32, #tpu.memory_space<hbm>> -> memref<128x64xf32, #tpu.memory_space<hbm>>
    %dma_wait3A_177 = arith.constant 0 : i32
    %dma_wait3A_178 = arith.constant 0 : i32
    %dma_wait3A_179 = tpu.memref_slice %arg6[%dma_wait3A_165, %dma_wait3A_177, %dma_wait3A_178] : memref<5x128x128xf32, #tpu.memory_space<vmem>> -> memref<1x128x64xf32, #tpu.memory_space<vmem>>
    %dma_wait3A_180 = tpu.memref_squeeze %dma_wait3A_179 : memref<1x128x64xf32, #tpu.memory_space<vmem>> -> memref<128x64xf32, #tpu.memory_space<vmem>>
    tpu.wait_dma2 semaphore(%dma_wait3A_174 : memref<!tpu.dma_semaphore, #tpu.memory_space<semaphore_mem>>) src(%dma_wait3A_180 : memref<128x64xf32, #tpu.memory_space<vmem>>) dst(%dma_wait3A_176 : memref<128x64xf32, #tpu.memory_space<hbm>>)
    %mul3A_181 = arith.constant 50 : i32
    %mul3A_182 = arith.muli %add3A, %mul3A_181 : i32
    %add3A_183 = arith.constant 50 : i32
    %add3A_184 = arith.addi %mul3A_182, %add3A_183 : i32
    %sub3A_185 = arith.constant 5 : i32
    %sub3A_186 = arith.subi %add3A_184, %sub3A_185 : i32
    %add3A_187 = arith.constant 4 : i32
    %add3A_188 = arith.addi %sub3A_186, %add3A_187 : i32
    %mul3A_189 = arith.constant 128 : i32
    %mul3A_190 = arith.muli %add3A_188, %mul3A_189 : i32
    %dma_wait3A_191 = arith.constant 4 : i32
    %dma_wait3A_192 = arith.constant 4 : i32
    %dma_wait3A_193 = arith.constant 0 : i32
    %dma_wait3A_194 = arith.constant 0 : i32
    %dma_wait3A_195 = tpu.memref_slice %arg6[%dma_wait3A_191, %dma_wait3A_193, %dma_wait3A_194] : memref<5x128x128xf32, #tpu.memory_space<vmem>> -> memref<1x128x64xf32, #tpu.memory_space<vmem>>
    %dma_wait3A_196 = tpu.memref_squeeze %dma_wait3A_195 : memref<1x128x64xf32, #tpu.memory_space<vmem>> -> memref<128x64xf32, #tpu.memory_space<vmem>>
    %dma_wait3A_197 = arith.constant 0 : i32
    %dma_wait3A_198 = tpu.memref_slice %arg4[%mul3A_190, %dma_wait3A_197] : memref<204800x64xf32, #tpu.memory_space<hbm>> -> memref<128x64xf32, #tpu.memory_space<hbm>>
    %dma_wait3A_199 = tpu.memref_slice %arg8[%dma_wait3A_192] : memref<5x!tpu.dma_semaphore, #tpu.memory_space<semaphore_mem>> -> memref<1x!tpu.dma_semaphore, #tpu.memory_space<semaphore_mem>>
    %dma_wait3A_200 = tpu.memref_squeeze %dma_wait3A_199 : memref<1x!tpu.dma_semaphore, #tpu.memory_space<semaphore_mem>> -> memref<!tpu.dma_semaphore, #tpu.memory_space<semaphore_mem>>
    %dma_wait3A_201 = arith.constant 0 : i32
    %dma_wait3A_202 = tpu.memref_slice %arg4[%mul3A_190, %dma_wait3A_201] : memref<204800x64xf32, #tpu.memory_space<hbm>> -> memref<128x64xf32, #tpu.memory_space<hbm>>
    %dma_wait3A_203 = arith.constant 0 : i32
    %dma_wait3A_204 = arith.constant 0 : i32
    %dma_wait3A_205 = tpu.memref_slice %arg6[%dma_wait3A_191, %dma_wait3A_203, %dma_wait3A_204] : memref<5x128x128xf32, #tpu.memory_space<vmem>> -> memref<1x128x64xf32, #tpu.memory_space<vmem>>
    %dma_wait3A_206 = tpu.memref_squeeze %dma_wait3A_205 : memref<1x128x64xf32, #tpu.memory_space<vmem>> -> memref<128x64xf32, #tpu.memory_space<vmem>>
    tpu.wait_dma2 semaphore(%dma_wait3A_200 : memref<!tpu.dma_semaphore, #tpu.memory_space<semaphore_mem>>) src(%dma_wait3A_206 : memref<128x64xf32, #tpu.memory_space<vmem>>) dst(%dma_wait3A_202 : memref<128x64xf32, #tpu.memory_space<hbm>>)
    return
  }
}

</mosaic_0001>

<sc_bundles>
// kernel: kernel.3.cloned.1.call-start
scs
__scs_entry_jumppad:
0x0: {  	(pc) =	sbr.rel $0x88, $3  }
0x1: {  	(tag) =	ssettag $0x0;
	lr =	simm.s32 $0x1  }
0x2: {  	[smem:$0x3F9F] =	sst lr;
	_ =	strace $0xD0000000  }
0x3: {  	_ = 	snop  }
0x4: {  	_ = 	snop  }
0x5: {  	_ = 	snop  }
0x6: {  	_ = 	snop  }
0x7: {  	_ = 	snop  }
__scs_overlays_trampoline_lowered:
0x8: {  	[smem:$0x3FAE] =	sst s0  }
0x9: {  	[smem:$0x3FAF] =	sst s1  }
0xa: {  	[smem:$0x3FB0] =	sst s2  }
0xb: {  	[smem:$0x3FB1] =	sst s3  }
0xc: {  	[smem:$0x3FB2] =	sst s4  }
0xd: {  	[smem:$0x3FB3] =	sst s5  }
0xe: {  	[smem:$0x3FB4] =	sst s6  }
0xf: {  	[smem:$0x3FB5] =	sst s7  }
0x10: {  	[smem:$0x3FB6] =	sst s8  }
0x11: {  	[smem:$0x3FB7] =	sst s9;
	s0 =	simm.s32 @!p0 $0x0  }
0x12: {  	s1 =	sld [smem:$0x3F9D];
	s0 =	simm.s32 @p0 $0x1  }
0x13: {  	[smem:$0x3FB8] =	sst s0;
	s0 =	simm.s32 @!p1 $0x0  }
0x14: {  	s2 =	sld [smem:$0x3F9C];
	s0 =	simm.s32 @p1 $0x1  }
0x15: {  	[smem:$0x3FB9] =	sst s0;
	s0 =	simm.s32 @!p2 $0x0  }
0x16: {  	s3 =	sld [smem:$0x3FDB];
	s0 =	simm.s32 @p2 $0x1  }
0x17: {  	s4 =	simm.s32 $0x1BF5;
	[smem:$0x3FBB] =	sst s0  }
0x18: {  	s0 =	sld [smem:$0x3F9E];
	_ =	swait.ge [sflag:s4], $0x0  }
0x19: {  	s7 =	sld [smem:$0x3F9F]  }
0x1a: {  	s8 =	sadd.s32 $0xFFFFE003, lr  }
0x1b: {  	s9 =	sadd.s32 $0xFFFFFEF7, lr;
	s5 =	simm.s32 $0xFFFFFFFF;
	p2 =	slt.u32 s8, $0xFFFFF086  }
0x1c: {  	p1 =	slt.u32 s9, $0xF7A;
	s5 =	simm.s32 @!p2 $0x0  }
0x1d: {  	s5 =	simm.s32 @p1 $0x1;
	p0 =	seq.s32 s7, s2  }
0x1e: {  	s7 =	smul.u32 @!p0 $0xF7A, s2;
	p2 =	seq.s32 @!p0 s5, $0x0  }
0x1f: {  	s9 =	smul.u32 $0xF7A, s1;
	s8 =	simm.s32 @!p0 $0x1BF5;
	p2 =	por !p2, p0  }
0x20: {  	[sflag:s8] =	ssyncset.s32 @!p0 $0xFFFFF086;
	s6 =	sadd.s32 @!p0 s3, s7;
	s7 =	simm.s32 @!p0 $0x108  }
0x21: {  	s3 =	sadd.s32 s3, s9;
	s6 =	sadd.s32 @!p0 $0x88, s6;
	s7 =	simm.s32 @p2 $0x1082  }
0x22: {  	[simem:s7], [sflag:s8] =	dma.local @!p0 [hbm:s6], $0xF7A  }
0x23: {  	s9 =	sor.u32 $0xD0000000, s2;
	s6 =	simm.s32 $0x108;
	_ =	swait.ge @!p0 [sflag:s8], $0x0  }
0x24: {  	s3 =	sadd.s32 $0x88, s3;
	s6 =	simm.s32 @!p1 $0x1082;
	[sflag:s4] =	ssyncset.s32 $0xFFFFF086  }
0x25: {  	[simem:s6], [sflag:s4] =	dma.local [hbm:s3], $0xF7A  }
0x26: {  	[smem:$0x3F9F] =	sst s1;
	(tag) =	ssettag s2;
	_ =	strace s9  }
0x27: {  	s1 =	sld [smem:$0x3FAF]  }
0x28: {  	s2 =	sld [smem:$0x3FB0]  }
0x29: {  	s4 =	sld [smem:$0x3FB2]  }
0x2a: {  	p0 =	seq.s32 s5, $0x0;
	s5 =	sld [smem:$0x3FB3]  }
0x2b: {  	s6 =	sld [smem:$0x3FB4]  }
0x2c: {  	s7 =	sld [smem:$0x3FB5]  }
0x2d: {  	s3 =	simm.s32 $0x108;
	s8 =	sld [smem:$0x3FB6]  }
0x2e: {  	s3 =	simm.s32 @!p0 $0x1082;
	s9 =	sld [smem:$0x3FB7]  }
0x2f: {  	lr =	sadd.s32 s0, s3;
	s0 =	sld [smem:$0x3FAE]  }
0x30: {  	s3 =	sld [smem:$0x3FB1]  }
0x31: {  	[smem:$0x3FBA] =	sst s10  }
0x32: {  	s10 =	sld [smem:$0x3FB8];
	_ =	sdelay $0x3  }
0x33: {  	p0 =	seq.s32 s10, $0x1;
	s10 =	sld [smem:$0x3FBA];
	_ =	sdelay $0x3  }
0x34: {  	[smem:$0x3FBA] =	sst s10  }
0x35: {  	s10 =	sld [smem:$0x3FB9];
	_ =	sdelay $0x3  }
0x36: {  	p1 =	seq.s32 s10, $0x1;
	s10 =	sld [smem:$0x3FBA];
	_ =	sdelay $0x3  }
0x37: {  	[smem:$0x3FBA] =	sst s10  }
0x38: {  	s10 =	sld [smem:$0x3FBB]  }
0x39: {  	_ = 	snop;
	(pc) =	sbr.ind lr, $3  }
0x3a: {  	_ = 	snop  }
0x3b: {  	_ = 	snop  }
0x3c: {  	p2 =	seq.s32 s10, $0x1;
	s10 =	sld [smem:$0x3FBA]  }
0x3d: {  	_ =	shalt  }
0x3e: {  	_ =	shalt  }
0x3f: {  	_ =	shalt  }
0x40: {  	_ =	shalt  }
0x41: {  	_ =	shalt  }
0x42: {  	_ =	shalt  }
0x43: {  	_ =	shalt  }
0x44: {  	_ =	shalt  }
0x45: {  	_ =	shalt  }
0x46: {  	_ =	shalt  }
0x47: {  	_ =	shalt  }
0x48: {  	_ =	shalt  }
0x49: {  	_ =	shalt  }
0x4a: {  	_ =	shalt  }
0x4b: {  	_ =	shalt  }
0x4c: {  	_ =	shalt  }
0x4d: {  	_ =	shalt  }
0x4e: {  	_ =	shalt  }
0x4f: {  	_ =	shalt  }
0x50: {  	_ =	shalt  }
0x51: {  	_ =	shalt  }
0x52: {  	_ =	shalt  }
0x53: {  	_ =	shalt  }
0x54: {  	_ =	shalt  }
0x55: {  	_ =	shalt  }
0x56: {  	_ =	shalt  }
0x57: {  	_ =	shalt  }
0x58: {  	_ =	shalt  }
0x59: {  	_ =	shalt  }
0x5a: {  	_ =	shalt  }
0x5b: {  	_ =	shalt  }
0x5c: {  	_ =	shalt  }
0x5d: {  	_ =	shalt  }
0x5e: {  	_ =	shalt  }
0x5f: {  	_ =	shalt  }
0x60: {  	_ =	shalt  }
0x61: {  	_ =	shalt  }
0x62: {  	_ =	shalt  }
0x63: {  	_ =	shalt  }
0x64: {  	_ =	shalt  }
0x65: {  	_ =	shalt  }
0x66: {  	_ =	shalt  }
0x67: {  	_ =	shalt  }
0x68: {  	_ =	shalt  }
0x69: {  	_ =	shalt  }
0x6a: {  	_ =	shalt  }
0x6b: {  	_ =	shalt  }
0x6c: {  	_ =	shalt  }
0x6d: {  	_ =	shalt  }
0x6e: {  	_ =	shalt  }
0x6f: {  	_ =	shalt  }
0x70: {  	_ =	shalt  }
0x71: {  	_ =	shalt  }
0x72: {  	_ =	shalt  }
0x73: {  	_ =	shalt  }
0x74: {  	_ =	shalt  }
0x75: {  	_ =	shalt  }
0x76: {  	_ =	shalt  }
0x77: {  	_ =	shalt  }
0x78: {  	_ =	shalt  }
0x79: {  	_ =	shalt  }
0x7a: {  	_ =	shalt  }
0x7b: {  	_ =	shalt  }
0x7c: {  	_ =	shalt  }
0x7d: {  	_ =	shalt  }
0x7e: {  	_ =	shalt  }
0x7f: {  	_ =	shalt  }
0x80: {  	_ =	shalt  }
0x81: {  	_ =	shalt  }
0x82: {  	_ =	shalt  }
0x83: {  	_ =	shalt  }
0x84: {  	_ =	shalt  }
0x85: {  	_ =	shalt  }
0x86: {  	_ =	shalt  }
0x87: {  	_ =	shalt  }
.Lfunc_end0:
.L_simem_size_0:
called_computation.1_lowered:
.L_overlay_start_0:
0x88: {  	s2 =	sld [smem:$0x3FD9]  }
0x89: {  	s3 =	sld [smem:$0x3FFE];
	_ =	sdelay $0x1  }
0x8a: {  	s1 =	srdreg.scid  }
0x8b: {  	s0 =	sand.u32 $0x1, s1  }
0x8c: {  	s17 =	sshll.u32 s0, $0xA;
	s2 =	sadd.s32 s3, s2  }
0x8d: {  	s2 =	sadd.s32 s2, s17  }
0x8e: {  	[smem:$0x3FC6] =	sst s2  }
0x8f: {  	_ = 	snop  }
0x90: {  	s2 =	sld [smem:$0x3FD0];
	(tm) =	ssettm $0x1  }
0x91: {  	s18 =	sld [smem:$0x3FFB];
	_ =	sdelay $0x3  }
0x92: {  	_ =	strace s18  }
0x93: {  	s3 =	sld [smem:$0x3FFC];
	_ =	sdelay $0x3  }
0x94: {  	_ =	strace s3  }
0x95: {  	s3 =	sld [smem:$0x3FFD];
	_ =	sdelay $0x3  }
0x96: {  	_ =	strace s3  }
0x97: {  	_ =	strace $0x8FFFFFFF  }
0x98: {  	s19 =	sld [smem:$0x3FDB];
	_ =	sdelay $0x1  }
0x99: {  	s4 =	simm.s32 $_scs_section_size  }
0x9a: {  	s5 =	simm.s32 $_size__tile_overlayer_lowered;
	s6 =	simm.s32 $_tile_overlayer_lowered  }
0x9b: {  	s22 =	simm.s32 $0x1BFF;
	s21 =	sshll.u32 s6, $0x1;
	s3 =	sadd.s32 s4, s19  }
0x9c: {  	s7 =	simm.s32 $0x0;
	s20 =	sshll.u32 s5, $0x1;
	s5 =	sadd.s32 s21, s3  }
0x9d: {  	[timem:s7], [sflag:s22] =	dma.local [hbm:s5], s20  }
0x9e: {  	_ =	swait.ge [sflag:s22], s20  }
0x9f: {  	s4 =	ssub.s32 $0x0, s20;
	[sflag:s22] =	ssyncset.done $0x0  }
0xa0: {  	[sflag:s22] =	ssyncadd.s32 s4;
	_ =	sdelay $0x1  }
0xa1: {  	s23 =	simm.s32 $0x1B8B  }
0xa2: {  	_ =	swait.ge [sflag:s23], $0x1  }
0xa3: {  	[sflag:s23] =	ssyncset.done $0x0  }
0xa4: {  	s25 =	simm.s32 $0x1B8E;
	s24 =	sld [smem:$0x3FFE];
	[sflag:s23] =	ssyncadd.s32 $0xFFFFFFFF  }
0xa5: {  	s26 =	simm.s32 $execute0_lowered;
	[smem:$0x3FD2] =	sst s25  }
0xa6: {  	s5 =	sshll.u32 s26, $0x1;
	_ =	strace $0x80000046;
	[dreg:$0x1] =	wrdreg $0xFFFFFFFF  }
0xa7: {  	s28 =	simm.s32 $_size_execute0_lowered;
	s3 =	sadd.s32 s3, s5;
	[dreg:$0x0] =	wrdreg $0x0  }
0xa8: {  	s5 =	sshll.u32 s28, $0x1;
	[dreg:$0x2] =	wrdreg s3  }
0xa9: {  	[dreg:$0x3] =	wrdreg s5  }
0xaa: {  	[dreg:$0x4] =	wrdreg $0xC0  }
0xab: {  	_ =	task [dreg:s7], $0x5FFFF  }
0xac: {  	[dreg:$0x1] =	wrdreg $0xFFFFFFFF  }
0xad: {  	[dreg:$0x0] =	wrdreg $0x60  }
0xae: {  	[dreg:$0x2] =	wrdreg s24  }
0xaf: {  	[dreg:$0x3] =	wrdreg s2  }
0xb0: {  	[dreg:$0x4] =	wrdreg $0x9  }
0xb1: {  	_ =	task.clear_ibuf [dreg:s7], $0x5FFFF;
	_ =	strace $0x90000046  }
0xb2: {  	s29 =	simm.s32 $0x9;
	_ =	strace $0x80000048  }
0xb3: {  	_ =	swait.ge [sflag:s29], $0x1  }
0xb4: {  	[sflag:s29] =	ssyncadd.s32 $0xFFFFFFFF  }
0xb5: {  	_ =	strace $0x90000048  }
0xb6: {  	_ =	sfence  }
0xb7: {  	s30 =	sld [smem:$0x0];
	_ =	sdelay $0x2  }
0xb8: {  	s31 =	sshll.u32 s1, $0xD;
	s1 =	sshrl.u32 s1, $0x2  }
0xb9: {  	s3 =	sand.u32 $0x4000, s31;
	s1 =	sadd.s32 s1, s30  }
0xba: {  	s0 =	sor.u32 s3, s0;
	s1 =	sshll.u32 s1, $0x11  }
0xbb: {  	s0 =	sor.u32 s1, s0  }
0xbc: {  	s0 =	sadd.s32 $0x8F2B, s0  }
0xbd: {  	[sflag:s0] =	ssyncadd.remote.s32 $0x1  }
0xbe: {  	_ =	sfence.sel $0xFFFF  }
0xbf: {  	[dreg:$0x0] =	wrdreg $0xFFFFFFFF;
	(pc) =	sbr.abs _section_cstart, $3  }
0xc0: {  	[dreg:$0x1] =	wrdreg $0xFFFFFFFF  }
0xc1: {  	_ =	task.clear_ibuf [dreg:s7], $0x2FFFF;
	_ =	strace $0x9FFFFFFF  }
0xc2: {  	(tm) =	ssettm $0x7FFFFFFF  }
0xc3: {  	_ =	shalt  }
tec
execute0_lowered:
.L_overlay_start_1:
0x0: {  	(tag) =	ssettag $0x1  }
0x1: {  	s0 =	rddreg [dreg:$0x0]  }
0x2: {  	s1 =	srdreg.scid;
	s3 =	stileid.u32  }
0x3: {  	s2 =	rddreg [dreg:$0x1];
	s12 =	simm.s32 $0xB;
	s13 =	simm.s32 $0x80  }
0x4: {  	s21 =	simm.s32 $0x11900;
	s22 =	simm.s32 $0x1;
	s23 =	simm.s32 $0x2  }
0x5: {  	s24 =	simm.s32 $0x3;
	s28 =	simm.s32 $0x6;
	s29 =	simm.s32 $0x7  }
0x6: {  	s30 =	simm.s32 $0x8;
	s1 =	sand.u32 $0x1, s1;
	s4 =	sshll.u32 s3, $0x1  }
0x7: {  	s31 =	simm.s32 $0x9;
	s3 =	simm.s32 $0x0;
	s4 =	sor.u32 s1, s4  }
0x8: {  	[smem:$0x7FF] =	sst s3;
	s1 =	ssub.s32 $0x2, s1;
	s5 =	smul.u32 $0x320, s4  }
0x9: {  	_ =	strace $0x80000047;
	s6 =	sshrl.u32 s1, $0x1;
	s4 =	smul.u32 $0x32, s4  }
.Ltmp0:
0xa: {  	s25 =	ssub.s32 s1, s6;
	s1 =	simm.s32 $0xA;
	(pc) =	sbr.rel .LBB2_1-.Ltmp0, $4  }
0xb: {  	s7 =	sadd.s32 s5, s0;
	s5 =	sadd.s32 $0xF49200, s0;
	s8 =	sadd.s32 $0x2, s4  }
0xc: {  	s9 =	sadd.s32 $0x3, s4;
	s10 =	sadd.s32 $0x4, s4;
	s11 =	smax.u32 s25, $0x1  }
0xd: {  	s25 =	simm.s32 $0x4;
	s0 =	simm.s32 $0x0;
	s26 =	sadd.s32 $0xF42E00, s7  }
0xe: {  	s7 =	sor.u32 $0x1, s4;
	[dreg:$0x3] =	wrdreg s26;
	s26 =	simm.s32 $0x5  }
.LBB2_14:
0xf: {  	_ =	swait.ge [sflag:s28], $0x2000  }
0x10: {  	[sflag:s28] =	ssyncset.done $0x0  }
0x11: {  	[sflag:s28] =	ssyncadd.s32 $0xFFFFE000  }
0x12: {  	_ =	swait.ge [sflag:s29], $0x2000  }
0x13: {  	[sflag:s29] =	ssyncset.done $0x0  }
0x14: {  	[sflag:s29] =	ssyncadd.s32 $0xFFFFE000  }
0x15: {  	_ =	swait.ge [sflag:s30], $0x2000  }
0x16: {  	[sflag:s30] =	ssyncset.done $0x0  }
0x17: {  	s0 =	sadd.s32 $0x1, s0;
	[sflag:s30] =	ssyncadd.s32 $0xFFFFE000  }
0x18: {  	p0 =	sne.s32 s0, s11;
	_ =	swait.ge [sflag:s31], $0x2000  }
.Ltmp1:
0x19: {  	[sflag:s31] =	ssyncset.done $0x0;
	(pc) =	sbr.rel @!p0 .LBB2_15-.Ltmp1, $4  }
0x1a: {  	[sflag:s31] =	ssyncadd.s32 $0xFFFFE000  }
0x1b: {  	_ =	swait.ge [sflag:s1], $0x2000  }
0x1c: {  	[sflag:s1] =	ssyncset.done $0x0  }
0x1d: {  	[sflag:s1] =	ssyncadd.s32 $0xFFFFE000  }
.LBB2_1:
0x1e: {  	s6 =	rddreg [dreg:$0x3]  }
0x1f: {  	[tilespmem:s3], [sflag:$0xB] =	stream.linear.gather [hbm4b:s6+s3], $0x1900, $0x38;
	[tilespmem:$0x15900] =	vst v63  }
0x20: {  	_ =	swait.ge [sflag:s12], $0x1900  }
0x21: {  	[sflag:s12] =	ssyncset.done $0x0  }
0x22: {  	s15 =	simm.s32 $0x1900;
	[sflag:s12] =	ssyncadd.s32 $0xFFFFE700  }
0x23: {  	[tilespmem:s15], [sflag:$0x1] =	stream.indirect.gather [hbm4b:s5+s13], $0x80, s3, s13, $0xb8;
	[tilespmem:$0x15900] =	vst v63  }
0x24: {  	s16 =	simm.s32 $0x5900  }
0x25: {  	[tilespmem:s16], [sflag:$0x2] =	stream.indirect.gather [hbm4b:s5+s13], $0x80, s13, s13, $0xb8;
	[tilespmem:$0x15900] =	vst v63  }
0x26: {  	s17 =	simm.s32 $0x100;
	s14 =	simm.s32 $0x9900  }
0x27: {  	[tilespmem:s14], [sflag:$0x3] =	stream.indirect.gather [hbm4b:s5+s13], $0x80, s17, s13, $0xb8;
	[tilespmem:$0x15900] =	vst v63  }
0x28: {  	s18 =	simm.s32 $0x180;
	s19 =	simm.s32 $0xD900  }
0x29: {  	[tilespmem:s19], [sflag:$0x4] =	stream.indirect.gather [hbm4b:s5+s13], $0x80, s18, s13, $0xb8;
	[tilespmem:$0x15900] =	vst v63  }
0x2a: {  	s20 =	simm.s32 $0x200;
	s14 =	simm.s32 $0x0  }
0x2b: {  	[tilespmem:s21], [sflag:$0x5] =	stream.indirect.gather [hbm4b:s5+s13], $0x80, s20, s13, $0xb8;
	[tilespmem:$0x15900] =	vst v63  }
.LBB2_2:
0x2c: {  	s15 =	smul.u32 $0x5, s14;
	_ =	sdelay $0x1  }
0x2d: {  	s6 =	sadd.s32 s4, s15  }
0x2e: {  	_ =	swait.ge [sflag:s22], $0x4000;
	s17 =	simm.s32 $0x1900;
	s6 =	sshll.u32 s6, $0xA  }
0x2f: {  	s18 =	simm.s32 $0x8;
	[sflag:s22] =	ssyncset.done $0x0;
	s16 =	sadd.s32 s2, s6  }
0x30: {  	s19 =	simm.s32 $0x1980;
	[sflag:s22] =	ssyncadd.s32 $0xFFFFC000;
	s20 =	sadd.s32 $0x0, s16  }
.LBB2_3:
0x31: {  	[hbm4b:s20+s3] =	stream.linear.scatter [tilespmem:s17], [sflag:$0x6], $0x40, $0x38;
	[tilespmem:$0x15900] =	vst v63  }
0x32: {  	s6 =	smov.u32 s18;
	s17 =	smov.u32 s19;
	p0 =	sne.s32 s18, $0x3F8  }
.Ltmp2:
0x33: {  	s18 =	sadd.s32 $0x8, s18;
	(pc) =	sbr.rel @p0 .LBB2_3-.Ltmp2, $2  }
0x34: {  	_ =	sdelay $0x2  }
0x35: {  	s19 =	sadd.s32 $0x80, s19;
	s20 =	sadd.s32 s6, s16  }
0x36: {  	[hbm4b:s20+s3] =	stream.linear.scatter [tilespmem:s17], [sflag:$0x6], $0x40, $0x38;
	[tilespmem:$0x15900] =	vst v63  }
0x37: {  	p0 =	seq.s32 s14, $0x9  }
0x38: {  	s6 =	simm.s32 @!p0 $0x6;
	s16 =	smul.u32 @!p0 $0xA00, s14  }
0x39: {  	s20 =	sadd.s32 s7, s15;
	_ =	swait.ge @!p0 [sflag:s6], $0x2000  }
0x3a: {  	s17 =	simm.s32 @!p0 $0x80;
	[sflag:s6] =	ssyncset.done @!p0 $0x0;
	s16 =	sshra.s32 @!p0 s16, $0x2  }
0x3b: {  	s18 =	simm.s32 @!p0 $0x1900;
	[sflag:s6] =	ssyncadd.s32 @!p0 $0xFFFFE000;
	s6 =	sadd.s32 @!p0 $0x280, s16  }
0x3c: {  	[tilespmem:s18], [sflag:$0x1] =	stream.indirect.gather @!p0 [hbm4b:s5+s17], $0x80, s6, s17, $0xb8;
	[tilespmem:$0x15900] =	vst v63  }
0x3d: {  	s6 =	sshll.u32 s20, $0xA  }
0x3e: {  	s19 =	simm.s32 $0x8;
	_ =	swait.ge [sflag:s23], $0x4000;
	s6 =	sand.u32 $0x1FFFFC00, s6  }
0x3f: {  	s18 =	simm.s32 $0x5900;
	[sflag:s23] =	ssyncset.done $0x0;
	s17 =	sadd.s32 s2, s6  }
0x40: {  	s20 =	simm.s32 $0x5980;
	[sflag:s23] =	ssyncadd.s32 $0xFFFFC000;
	s6 =	sadd.s32 $0x0, s17  }
.LBB2_5:
0x41: {  	[hbm4b:s6+s3] =	stream.linear.scatter [tilespmem:s18], [sflag:$0x7], $0x40, $0x38;
	[tilespmem:$0x15900] =	vst v63  }
0x42: {  	s6 =	smov.u32 s19;
	s18 =	smov.u32 s20;
	p1 =	sne.s32 s19, $0x3F8  }
.Ltmp3:
0x43: {  	s19 =	sadd.s32 $0x8, s19;
	(pc) =	sbr.rel @p1 .LBB2_5-.Ltmp3, $2  }
0x44: {  	_ =	sdelay $0x2  }
0x45: {  	s20 =	sadd.s32 $0x80, s20;
	s6 =	sadd.s32 s6, s17  }
0x46: {  	[hbm4b:s6+s3] =	stream.linear.scatter [tilespmem:s18], [sflag:$0x7], $0x40, $0x38;
	[tilespmem:$0x15900] =	vst v63  }
0x47: {  	s6 =	simm.s32 @!p0 $0x7  }
0x48: {  	_ =	swait.ge @!p0 [sflag:s6], $0x2000  }
0x49: {  	s17 =	simm.s32 @!p0 $0x80;
	s18 =	simm.s32 @!p0 $0x5900;
	[sflag:s6] =	ssyncset.done @!p0 $0x0  }
0x4a: {  	s20 =	sadd.s32 s8, s15;
	[sflag:s6] =	ssyncadd.s32 @!p0 $0xFFFFE000;
	s6 =	sadd.s32 @!p0 $0x300, s16  }
0x4b: {  	[tilespmem:s18], [sflag:$0x2] =	stream.indirect.gather @!p0 [hbm4b:s5+s17], $0x80, s6, s17, $0xb8;
	[tilespmem:$0x15900] =	vst v63  }
0x4c: {  	s6 =	sshll.u32 s20, $0xA  }
0x4d: {  	s19 =	simm.s32 $0x8;
	_ =	swait.ge [sflag:s24], $0x4000;
	s6 =	sand.u32 $0x1FFFFC00, s6  }
0x4e: {  	s18 =	simm.s32 $0x9900;
	[sflag:s24] =	ssyncset.done $0x0;
	s17 =	sadd.s32 s2, s6  }
0x4f: {  	s20 =	simm.s32 $0x9980;
	[sflag:s24] =	ssyncadd.s32 $0xFFFFC000;
	s6 =	sadd.s32 $0x0, s17  }
.LBB2_7:
0x50: {  	[hbm4b:s6+s3] =	stream.linear.scatter [tilespmem:s18], [sflag:$0x8], $0x40, $0x38;
	[tilespmem:$0x15900] =	vst v63  }
0x51: {  	s6 =	smov.u32 s19;
	s18 =	smov.u32 s20;
	p1 =	sne.s32 s19, $0x3F8  }
.Ltmp4:
0x52: {  	s19 =	sadd.s32 $0x8, s19;
	(pc) =	sbr.rel @p1 .LBB2_7-.Ltmp4, $2  }
0x53: {  	_ =	sdelay $0x2  }
0x54: {  	s20 =	sadd.s32 $0x80, s20;
	s6 =	sadd.s32 s6, s17  }
0x55: {  	[hbm4b:s6+s3] =	stream.linear.scatter [tilespmem:s18], [sflag:$0x8], $0x40, $0x38;
	[tilespmem:$0x15900] =	vst v63  }
0x56: {  	s6 =	simm.s32 @!p0 $0x8  }
0x57: {  	_ =	swait.ge @!p0 [sflag:s6], $0x2000  }
0x58: {  	s17 =	simm.s32 @!p0 $0x80;
	s18 =	simm.s32 @!p0 $0x9900;
	[sflag:s6] =	ssyncset.done @!p0 $0x0  }
0x59: {  	s20 =	sadd.s32 s9, s15;
	[sflag:s6] =	ssyncadd.s32 @!p0 $0xFFFFE000;
	s6 =	sadd.s32 @!p0 $0x380, s16  }
0x5a: {  	[tilespmem:s18], [sflag:$0x3] =	stream.indirect.gather @!p0 [hbm4b:s5+s17], $0x80, s6, s17, $0xb8;
	[tilespmem:$0x15900] =	vst v63  }
0x5b: {  	s6 =	sshll.u32 s20, $0xA  }
0x5c: {  	s19 =	simm.s32 $0x8;
	_ =	swait.ge [sflag:s25], $0x4000;
	s6 =	sand.u32 $0x1FFFFC00, s6  }
0x5d: {  	s18 =	simm.s32 $0xD900;
	[sflag:s25] =	ssyncset.done $0x0;
	s17 =	sadd.s32 s2, s6  }
0x5e: {  	s20 =	simm.s32 $0xD980;
	[sflag:s25] =	ssyncadd.s32 $0xFFFFC000;
	s6 =	sadd.s32 $0x0, s17  }
.LBB2_9:
0x5f: {  	[hbm4b:s6+s3] =	stream.linear.scatter [tilespmem:s18], [sflag:$0x9], $0x40, $0x38;
	[tilespmem:$0x15900] =	vst v63  }
0x60: {  	s6 =	smov.u32 s19;
	s18 =	smov.u32 s20;
	p1 =	sne.s32 s19, $0x3F8  }
.Ltmp5:
0x61: {  	s19 =	sadd.s32 $0x8, s19;
	(pc) =	sbr.rel @p1 .LBB2_9-.Ltmp5, $2  }
0x62: {  	_ =	sdelay $0x2  }
0x63: {  	s20 =	sadd.s32 $0x80, s20;
	s6 =	sadd.s32 s6, s17  }
0x64: {  	[hbm4b:s6+s3] =	stream.linear.scatter [tilespmem:s18], [sflag:$0x9], $0x40, $0x38;
	[tilespmem:$0x15900] =	vst v63  }
0x65: {  	s6 =	simm.s32 @!p0 $0x9  }
0x66: {  	_ =	swait.ge @!p0 [sflag:s6], $0x2000  }
0x67: {  	s17 =	simm.s32 @!p0 $0xD900;
	s20 =	sadd.s32 s10, s15;
	[sflag:s6] =	ssyncset.done @!p0 $0x0  }
0x68: {  	[sflag:s6] =	ssyncadd.s32 @!p0 $0xFFFFE000;
	s6 =	sadd.s32 @!p0 $0x400, s16;
	s16 =	simm.s32 @!p0 $0x80  }
0x69: {  	[tilespmem:s17], [sflag:$0x4] =	stream.indirect.gather @!p0 [hbm4b:s5+s16], $0x80, s6, s16, $0xb8;
	[tilespmem:$0x15900] =	vst v63  }
0x6a: {  	s6 =	sshll.u32 s20, $0xA  }
0x6b: {  	s18 =	simm.s32 $0x11980;
	_ =	swait.ge [sflag:s26], $0x4000;
	s6 =	sand.u32 $0x1FFFFC00, s6  }
0x6c: {  	s16 =	simm.s32 $0x11900;
	[sflag:s26] =	ssyncset.done $0x0;
	s15 =	sadd.s32 s2, s6  }
0x6d: {  	s17 =	simm.s32 $0x8;
	[sflag:s26] =	ssyncadd.s32 $0xFFFFC000;
	s6 =	sadd.s32 $0x0, s15  }
.LBB2_11:
0x6e: {  	[hbm4b:s6+s3] =	stream.linear.scatter [tilespmem:s16], [sflag:$0xA], $0x40, $0x38;
	[tilespmem:$0x15900] =	vst v63  }
0x6f: {  	s6 =	smov.u32 s17;
	s16 =	smov.u32 s18;
	p1 =	sne.s32 s17, $0x3F8  }
.Ltmp6:
0x70: {  	s17 =	sadd.s32 $0x8, s17;
	(pc) =	sbr.rel @p1 .LBB2_11-.Ltmp6, $2  }
0x71: {  	_ =	sdelay $0x2  }
0x72: {  	s18 =	sadd.s32 $0x80, s18;
	s6 =	sadd.s32 s6, s15  }
.Ltmp7:
0x73: {  	(pc) =	sbr.rel @p0 .LBB2_14-.Ltmp7, $2  }
0x74: {  	_ =	sdelay $0x2  }
0x75: {  	[hbm4b:s6+s3] =	stream.linear.scatter [tilespmem:s16], [sflag:$0xA], $0x40, $0x38;
	[tilespmem:$0x15900] =	vst v63  }
0x76: {  	s6 =	smul.u32 $0xA00, s14  }
.Ltmp8:
0x77: {  	_ = 	snop;
	(pc) =	sbr.rel .LBB2_2-.Ltmp8, $4  }
0x78: {  	_ =	swait.ge [sflag:s1], $0x2000  }
0x79: {  	[sflag:s1] =	ssyncset.done $0x0;
	s6 =	sshra.s32 s6, $0x2  }
0x7a: {  	s14 =	sadd.s32 $0x1, s14;
	[sflag:s1] =	ssyncadd.s32 $0xFFFFE000;
	s6 =	sadd.s32 $0x480, s6  }
0x7b: {  	[tilespmem:s21], [sflag:$0x5] =	stream.indirect.gather [hbm4b:s5+s13], $0x80, s6, s13, $0xb8;
	[tilespmem:$0x15900] =	vst v63  }
.LBB2_15:
0x7c: {  	_ =	sfence.sel $0x180000  }
0x7d: {  	[bflag:$0x0] =	sbarrier.arrive $0xFFFF  }
0x7e: {  	_ =	strace $0x90000047  }
0x7f: {  	s0 =	stileid.u32;
	[bflag:$0x2] =	sbarrier.arrive $0xFFFF  }
0x80: {  	p0 =	sne.s32 s0, $0x0;
	s0 =	rddreg [dreg:$0x2]  }
0x81: {  	s0 =	sadd.s32 @!p0 $0x100000, s0  }
0x82: {  	[sflag:s0] =	ssyncadd.tile.s32 @!p0 $0x1;
	_ =	shalt  }
.Lfunc_end2:
_tile_overlayer_lowered:
.L_overlay_start_2:
0x83: {  	(tag) =	ssettag $0x2  }
0x84: {  	s0 =	rddreg [dreg:$0x0];
	s2 =	stileid.u32  }
0x85: {  	s1 =	rddreg [dreg:$0x1];
	p0 =	sne.s32 s2, $0x0  }
0x86: {  	s3 =	rddreg [dreg:$0x2];
	[bflag:$0x3] =	sbarrier.arrive $0xFFFF;
	s2 =	simm.s32 @!p0 $0x1C0B  }
0x87: {  	[timem:s3], [sflag:s2] =	dma.local @!p0 [hbm:s0], s1  }
0x88: {  	s0 =	simm.s32 @!p0 $0xB  }
0x89: {  	_ =	swait.ge @!p0 [sflag:s0], s1  }
0x8a: {  	s1 =	ssub.s32 @!p0 $0x0, s1;
	[sflag:s0] =	ssyncset.done @!p0 $0x0  }
0x8b: {  	[sflag:s0] =	ssyncadd.s32 @!p0 s1  }
0x8c: {  	[bflag:$0x3] =	sbarrier.arrive $0xFFFF  }
0x8d: {  	_ =	shalt  }

// kernel: sparse-core-data-format-call.cloned.1.call-start
scs
called_computation_lowered:
.L_overlay_start_0:
0x0: {  	s2 =	sld [smem:$0x3FD9]  }
0x1: {  	s3 =	sld [smem:$0x3FFE];
	_ =	sdelay $0x1  }
0x2: {  	s1 =	srdreg.scid  }
0x3: {  	s0 =	sand.u32 $0x1, s1  }
0x4: {  	s18 =	sshll.u32 s0, $0xA;
	s2 =	sadd.s32 s3, s2  }
0x5: {  	s2 =	sadd.s32 s2, s18  }
0x6: {  	[smem:$0x3FC6] =	sst s2  }
0x7: {  	_ = 	snop  }
0x8: {  	s2 =	sld [smem:$0x3FD0];
	(tm) =	ssettm $0x1  }
0x9: {  	s19 =	sld [smem:$0x3FFB];
	_ =	sdelay $0x3  }
0xa: {  	_ =	strace s19  }
0xb: {  	s3 =	sld [smem:$0x3FFC];
	_ =	sdelay $0x3  }
0xc: {  	_ =	strace s3  }
0xd: {  	s3 =	sld [smem:$0x3FFD];
	_ =	sdelay $0x3  }
0xe: {  	_ =	strace s3  }
0xf: {  	_ =	strace $0x8FFFFFFF  }
0x10: {  	s20 =	sld [smem:$0x3FDB];
	_ =	sdelay $0x1  }
0x11: {  	s4 =	simm.s32 $_scs_section_size  }
0x12: {  	s5 =	simm.s32 $_size__tile_overlayer_lowered;
	s6 =	simm.s32 $_tile_overlayer_lowered  }
0x13: {  	s23 =	simm.s32 $0x1BFF;
	s22 =	sshll.u32 s6, $0x1;
	s3 =	sadd.s32 s4, s20  }
0x14: {  	s7 =	simm.s32 $0x0;
	s21 =	sshll.u32 s5, $0x1;
	s5 =	sadd.s32 s22, s3  }
0x15: {  	[timem:s7], [sflag:s23] =	dma.local [hbm:s5], s21  }
0x16: {  	_ =	swait.ge [sflag:s23], s21  }
0x17: {  	s4 =	ssub.s32 $0x0, s21;
	[sflag:s23] =	ssyncset.done $0x0  }
0x18: {  	[sflag:s23] =	ssyncadd.s32 s4;
	_ =	sdelay $0x1  }
0x19: {  	s24 =	simm.s32 $0x1B8B  }
0x1a: {  	_ =	swait.ge [sflag:s24], $0x1  }
0x1b: {  	[sflag:s24] =	ssyncset.done $0x0  }
0x1c: {  	s26 =	simm.s32 $0x1B8E;
	s25 =	sld [smem:$0x3FFE];
	[sflag:s24] =	ssyncadd.s32 $0xFFFFFFFF  }
0x1d: {  	s27 =	simm.s32 $execute0_lowered;
	[smem:$0x3FD2] =	sst s26  }
0x1e: {  	s5 =	sshll.u32 s27, $0x1;
	_ =	strace $0x80000049;
	[dreg:$0x1] =	wrdreg $0xFFFFFFFF  }
0x1f: {  	s28 =	simm.s32 $_size_execute0_lowered;
	s3 =	sadd.s32 s3, s5;
	[dreg:$0x0] =	wrdreg $0x0  }
0x20: {  	s5 =	sshll.u32 s28, $0x1;
	[dreg:$0x2] =	wrdreg s3  }
0x21: {  	[dreg:$0x3] =	wrdreg s5  }
0x22: {  	[dreg:$0x4] =	wrdreg $0xC0  }
0x23: {  	_ =	task [dreg:s7], $0x5FFFF  }
0x24: {  	[dreg:$0x1] =	wrdreg $0xFFFFFFFF  }
0x25: {  	[dreg:$0x0] =	wrdreg $0x60  }
0x26: {  	[dreg:$0x2] =	wrdreg s25  }
0x27: {  	[dreg:$0x3] =	wrdreg s2  }
0x28: {  	[dreg:$0x4] =	wrdreg $0x9  }
0x29: {  	_ =	task.clear_ibuf [dreg:s7], $0x5FFFF;
	_ =	strace $0x90000049  }
0x2a: {  	s29 =	simm.s32 $0x9;
	_ =	strace $0x8000004B  }
0x2b: {  	_ =	swait.ge [sflag:s29], $0x1  }
0x2c: {  	[sflag:s29] =	ssyncadd.s32 $0xFFFFFFFF  }
0x2d: {  	_ =	strace $0x9000004B  }
0x2e: {  	_ =	sfence  }
0x2f: {  	s30 =	sld [smem:$0x0];
	_ =	sdelay $0x2  }
0x30: {  	s31 =	sshll.u32 s1, $0xD;
	s1 =	sshrl.u32 s1, $0x2  }
0x31: {  	s3 =	sand.u32 $0x4000, s31;
	s1 =	sadd.s32 s1, s30  }
0x32: {  	s0 =	sor.u32 s3, s0;
	s1 =	sshll.u32 s1, $0x11  }
0x33: {  	s0 =	sor.u32 s1, s0  }
0x34: {  	s0 =	sadd.s32 $0x8F2B, s0  }
0x35: {  	[sflag:s0] =	ssyncadd.remote.s32 $0x1  }
0x36: {  	_ =	sfence.sel $0xFFFF  }
0x37: {  	[dreg:$0x0] =	wrdreg $0xFFFFFFFF;
	(pc) =	sbr.abs _section_cstart, $3  }
0x38: {  	[dreg:$0x1] =	wrdreg $0xFFFFFFFF  }
0x39: {  	_ =	task.clear_ibuf [dreg:s7], $0x2FFFF;
	_ =	strace $0x9FFFFFFF  }
0x3a: {  	(tm) =	ssettm $0x7FFFFFFF  }
0x3b: {  	_ =	shalt  }
tec
execute0_lowered:
.L_overlay_start_1:
0x0: {  	(tag) =	ssettag $0x1  }
0x1: {  	s0 =	srdreg.scid  }
0x2: {  	s1 =	sshll.u32 s0, $0x4  }
0x3: {  	s0 =	stileid.u32;
	s1 =	sand.u32 $0x10, s1  }
0x4: {  	s1 =	sor.u32 s0, s1  }
0x5: {  	s6 =	rddreg [dreg:$0x0];
	s4 =	simm.s32 $0x1;
	s2 =	sshll.u32 s1, $0x7  }
0x6: {  	s7 =	simm.s32 $0x2;
	s12 =	simm.s32 $0x0;
	s1 =	ssub.s32 $0x1000, s2  }
0x7: {  	s8 =	simm.s32 $0x8000;
	s13 =	simm.s32 $0x0;
	s3 =	sand.u32 $0xF80, s1  }
0x8: {  	s9 =	simm.s32 $0x0;
	s5 =	sshrl.u32 s1, $0xC;
	p0 =	sne.s32 s3, $0x0  }
.Ltmp0:
0x9: {  	s1 =	rddreg [dreg:$0x2];
	s4 =	simm.s32 @!p0 $0x0;
	(pc) =	sbr.rel .LBB1_1-.Ltmp0, $4  }
0xa: {  	s11 =	simm.s32 $0x0;
	s3 =	rddreg [dreg:$0x1];
	s5 =	sadd.s32 s4, s5  }
0xb: {  	_ =	strace $0x8000004A;
	s4 =	simm.s32 $0x1;
	s5 =	smul.u32 $0x32, s5  }
0xc: {  	s6 =	sadd.s32 $0xA00, s6;
	s10 =	smov.u32 s2;
	[sflag:s4] =	ssyncpa.u1 $0x0  }
0xd: {  	p0 =	por $0x0, $0x0;
	[sflag:s7] =	ssyncpa.u1 $0x0;
	s7 =	sor.u32 $0x1, s5  }
.LBB1_4:
0xe: {  	s16 =	sshll.u32 s13, $0x3;
	s17 =	sand.u32 $0x78, s13  }
0xf: {  	s30 =	sand.u32 $0x7E00, s13;
	s12 =	sshll.u32 s12, $0xF;
	s16 =	sand.u32 $0xC00, s16  }
0x10: {  	[tilespmem:s15+$0x810 ss:$0x81] =	vst.msk $0xffff, v2;
	s31 =	sand.u32 $0x7, s13;
	s16 =	sor.u32 s17, s16;
	s17 =	sadd.s32 s3, s30  }
0x11: {  	[tilespmem:s15+$0x1020 ss:$0x81] =	vst.msk $0xffff, v0;
	s13 =	sshll.u32 s31, $0x12;
	s12 =	sadd.s32 s12, s17;
	s16 =	sshrl.u32 s16, $0x3  }
0x12: {  	[tilespmem:s15+$0x0 ss:$0x81] =	vst.msk $0xffff, v1;
	s13 =	sor.u32 $0x400, s13;
	s12 =	sadd.s32 s16, s12  }
0x13: {  	[hbm4b:s12+s13] =	stream.strided.scatter [tilespmem:s14], [sflag:$0x2], $0x2000, s8, s13, $0x20;
	[tilespmem:$0x8080] =	vst v63  }
.LBB1_5:
0x14: {  	s14 =	sadd.s32 $0x1, s9  }
0x15: {  	s12 =	sadd.s32 $0x1000, s10;
	s16 =	smov.u32 s10;
	p2 =	sgt.s32 s14, $0x31  }
0x16: {  	s16 =	smov.u32 @p2 s12  }
0x17: {  	s14 =	simm.s32 @p2 $0x0;
	p2 =	sgt.s32 s16, $0xFFF  }
0x18: {  	s16 =	smov.u32 @p2 s2;
	p2 =	sne.s32 s11, s7  }
.Ltmp1:
0x19: {  	p1 =	slt.u32 s11, $0x2;
	(pc) =	sbr.rel @!p2 .LBB1_6-.Ltmp1, $4  }
0x1a: {  	s15 =	simm.s32 @!p1 $0x2  }
0x1b: {  	s13 =	smov.u32 s10;
	p0 =	por !p0, !p0;
	_ =	swait.ge @!p1 [sflag:s15], $0x2000  }
0x1c: {  	s12 =	smov.u32 s9;
	[sflag:s15] =	ssyncset.done @!p1 $0x0;
	s9 =	smov.u32 s14  }
0x1d: {  	s11 =	sadd.s32 $0x1, s11;
	[sflag:s15] =	ssyncadd.s32 @!p1 $0xFFFFE000;
	s10 =	smov.u32 s16  }
.LBB1_1:
0x1e: {  	p1 =	sge.u32 s11, s5  }
0x1f: {  	s14 =	sand.u32 @!p1 $0x1FFFFFF, s9  }
0x20: {  	s15 =	smulhi.u32 @!p1 $0x4924925, s14;
	_ =	sdelay $0x1  }
0x21: {  	s15 =	smul.u32 @!p1 $0x38, s15  }
0x22: {  	s16 =	sxor.u32 @!p1 $0xFFFFFFFF, s11;
	s17 =	smul.u32 @!p1 $0x380, s10  }
0x23: {  	s31 =	sadd.s32 $0xFFFFFFFF, s11;
	s16 =	sshll.u32 @!p1 s16, $0xD;
	s14 =	ssub.s32 @!p1 s14, s15  }
0x24: {  	s15 =	sand.u32 @!p1 $0x2000, s16;
	s16 =	sadd.s32 @!p1 s6, s17;
	s14 =	sshll.u32 @!p1 s14, $0x4  }
0x25: {  	s17 =	simm.s32 @!p1 $0x1C00;
	s14 =	sadd.s32 @!p1 s14, s16;
	s16 =	simm.s32 @!p1 $0x40  }
0x26: {  	[tilespmem:s15], [sflag:$0x1] =	stream.strided.gather @!p1 [hbm4b:s14+s16], $0x2000, s17, s16, $0x38;
	[tilespmem:$0x8080] =	vst v63  }
0x27: {  	p1 =	sge.u32 s31, s5  }
.Ltmp2:
0x28: {  	_ = 	snop;
	(pc) =	sbr.rel @p1 .LBB1_5-.Ltmp2, $1  }
0x29: {  	_ =	sdelay $0x3  }
0x2a: {  	s14 =	simm.s32 $0x1  }
0x2b: {  	_ =	swait.ge [sflag:s4], $0x2000;
	s14 =	simm.s32 @!p0 $0x0  }
0x2c: {  	[sflag:s4] =	ssyncset.done $0x0;
	s15 =	sshll.u32 s14, $0xD  }
0x2d: {  	[sflag:s4] =	ssyncadd.s32 $0xFFFFE000;
	s18 =	sor.u32 $0x20, s15  }
0x2e: {  	s14 =	smul.u32 $0x8100, s14;
	v3 =	vld [tilespmem:s18+$0x10]  }
0x2f: {  	s30 =	sand.u32 $0x1, s11;
	v2 =	vld [tilespmem:s18+$0xFFFFFFF0]  }
0x30: {  	s15 =	smul.u32 $0x8100, s30;
	s14 =	sshrl.u32 s14, $0x2;
	v0 =	vld [tilespmem:s18+$0x0]  }
0x31: {  	v1 =	vld [tilespmem:s18+$0xFFFFFFE0];
	s16 =	sor.u32 $0x4000, s14  }
0x32: {  	s31 =	sshrl.u32 s15, $0x2;
	s15 =	sadd.s32 $0x0, s16  }
0x33: {  	s17 =	simm.s32 $0x4;
	s18 =	sadd.s32 $0x40, s18;
	s14 =	sor.u32 $0x4000, s31;
	[tilespmem:s15+$0x1830 ss:$0x81] =	vst.msk $0xffff, v3  }
.LBB1_3:
0x34: {  	v3 =	vld [tilespmem:s18+$0x10];
	p1 =	sne.s32 s17, $0x1FC;
	[tilespmem:s15+$0x810 ss:$0x81] =	vst.msk $0xffff, v2;
	s19 =	smov.u32 s17;
	s17 =	sadd.s32 $0x4, s17  }
.Ltmp3:
0x35: {  	v2 =	vld [tilespmem:s18+$0xFFFFFFF0];
	[tilespmem:s15+$0x1020 ss:$0x81] =	vst.msk $0xffff, v0;
	(pc) =	sbr.rel @p1 .LBB1_3-.Ltmp3, $4  }
0x36: {  	v0 =	vld [tilespmem:s18+$0x0];
	[tilespmem:s15+$0x0 ss:$0x81] =	vst.msk $0xffff, v1  }
0x37: {  	s15 =	sshra.s32 s19, $0x2;
	v1 =	vld [tilespmem:s18+$0xFFFFFFE0]  }
0x38: {  	s15 =	sadd.s32 s15, s16  }
0x39: {  	s18 =	sadd.s32 $0x40, s18;
	[tilespmem:s15+$0x1830 ss:$0x81] =	vst.msk $0xffff, v3  }
.Ltmp4:
0x3a: {  	_ = 	snop;
	(pc) =	sbr.rel .LBB1_4-.Ltmp4, $1  }
0x3b: {  	_ =	sdelay $0x3  }
.LBB1_6:
0x3c: {  	_ =	sfence.sel $0x180000  }
0x3d: {  	s2 =	simm.s32 $0x1;
	[bflag:$0x0] =	sbarrier.arrive $0xFFFF  }
0x3e: {  	s31 =	simm.s32 $0x2;
	[sflag:s2] =	ssyncpa.u1 $0x1  }
0x3f: {  	[sflag:s31] =	ssyncpa.u1 $0x1  }
0x40: {  	p0 =	sne.s32 s0, $0x0;
	_ =	strace $0x9000004A  }
0x41: {  	s0 =	sadd.s32 @!p0 $0x100000, s1;
	[bflag:$0x2] =	sbarrier.arrive $0xFFFF  }
0x42: {  	[sflag:s0] =	ssyncadd.tile.s32 @!p0 $0x1;
	_ =	shalt  }
.Lfunc_end1:
_tile_overlayer_lowered:
.L_overlay_start_2:
0x43: {  	(tag) =	ssettag $0x2  }
0x44: {  	s0 =	rddreg [dreg:$0x0];
	s2 =	stileid.u32  }
0x45: {  	s1 =	rddreg [dreg:$0x1];
	p0 =	sne.s32 s2, $0x0  }
0x46: {  	s3 =	rddreg [dreg:$0x2];
	[bflag:$0x3] =	sbarrier.arrive $0xFFFF;
	s2 =	simm.s32 @!p0 $0x1C01  }
0x47: {  	[timem:s3], [sflag:s2] =	dma.local @!p0 [hbm:s0], s1  }
0x48: {  	s0 =	simm.s32 @!p0 $0x1  }
0x49: {  	_ =	swait.ge @!p0 [sflag:s0], s1  }
0x4a: {  	s1 =	ssub.s32 @!p0 $0x0, s1;
	[sflag:s0] =	ssyncset.done @!p0 $0x0  }
0x4b: {  	[sflag:s0] =	ssyncadd.s32 @!p0 s1  }
0x4c: {  	[bflag:$0x3] =	sbarrier.arrive $0xFFFF  }
0x4d: {  	_ =	shalt  }

</sc_bundles>
